<compile_context>
chip_gen: v7x
topology: tpu7x:2x2x1
jax: 0.10.2.dev20260603
libtpu: 0.0.44.dev20260713+nightly
codegen_flags: <defaults>
</compile_context>

<pallas_src>
import dataclasses

import jax
import jax.numpy as jnp
from jax import lax
from jax.experimental import pallas as pl
from jax.experimental.pallas import tpu as pltpu
from jax.experimental.pallas import tpu_sc as plsc

_NW = 32


def kernel(onset_idx, rhyme_idx, tone_idx, onset_table, rhyme_table, tone_table):
    B, L = onset_idx.shape
    V, D = onset_table.shape
    n = B * L * 3
    bw = B // _NW
    win = (bw // 8) * 24

    mesh = plsc.VectorSubcoreMesh(core_axis_name="c", subcore_axis_name="s")
    cp = pltpu.CompilerParams()
    if "needs_layout_passes" in pltpu.CompilerParams.__dataclass_fields__:
        cp = dataclasses.replace(cp, needs_layout_passes=False)

    @pl.kernel(
        out_type=jax.ShapeDtypeStruct((n, D), jnp.float32),
        mesh=mesh,
        compiler_params=cp,
        scratch_types=[
            pltpu.VMEM_SHARED((3 * V, D), jnp.float32),
            pltpu.VMEM((bw, L), jnp.int32),
            pltpu.VMEM((L * win,), jnp.int32),
            pltpu.VMEM((win // 4, D), jnp.float32),
            pltpu.VMEM((win // 4, D), jnp.float32),
            pltpu.VMEM((win // 4, D), jnp.float32),
            pltpu.VMEM((win // 4, D), jnp.float32),
            pltpu.SemaphoreType.DMA,
            pltpu.SemaphoreType.DMA,
            pltpu.SemaphoreType.DMA,
            pltpu.SemaphoreType.DMA,
            pltpu.SemaphoreType.DMA,
            pltpu.SemaphoreType.DMA,
            pltpu.SemaphoreType.DMA,
            pltpu.SemaphoreType.DMA,
        ],
    )
    def gather_kernel(
        i1_hbm, i2_hbm, i3_hbm, t1_hbm, t2_hbm, t3_hbm, o_hbm,
        tab_spmem, raw_v, perm_v, buf0, buf1, buf2, buf3,
        gsem0, gsem1, gsem2, gsem3, wsem0, wsem1, wsem2, wsem3,
    ):
        cid = lax.axis_index("c")
        sid = lax.axis_index("s")
        wid = cid * 16 + sid
        b0 = wid * bw

        for t, t_hbm in enumerate((t1_hbm, t2_hbm, t3_hbm)):

            @pl.when(sid == t)
            def _(t=t, t_hbm=t_hbm):
                pltpu.make_async_copy(
                    t_hbm, tab_spmem.at[pl.ds(t * V, V)], gsem0
                ).start()

        lane = lax.iota(jnp.int32, 16)
        dst_pat = (lane // 8) * 24 + (lane % 8)
        for t, i_hbm in enumerate((i1_hbm, i2_hbm, i3_hbm)):
            pltpu.sync_copy(i_hbm.at[pl.ds(b0, bw)], raw_v)

            @pl.loop(0, L)
            def _(l):
                for j in range(bw // 16):
                    rows = j * 16 + lane
                    cols = jnp.full((16,), l, jnp.int32)
                    v = plsc.load_gather(raw_v, [rows, cols]) + t * V
                    dst = l * win + j * 48 + t * 8 + dst_pat
                    plsc.store_scatter(perm_v, [dst], v)

        @pl.when(sid < 3)
        def _():
            pltpu.make_async_copy(
                t1_hbm, tab_spmem.at[pl.ds(0, V)], gsem0
            ).wait()

        plsc.subcore_barrier()

        q = win // 4
        bufs = (buf0, buf1, buf2, buf3)
        gsems = (gsem0, gsem1, gsem2, gsem3)
        wsems = (wsem0, wsem1, wsem2, wsem3)
        nsteps = 4 * L

        def gstart(s, buf, gsem):
            pltpu.make_async_copy(
                tab_spmem.at[perm_v.at[pl.ds(s * q, q)]], buf, gsem
            ).start()

        def gwait(buf, gsem):
            pltpu.make_async_copy(
                tab_spmem.at[perm_v.at[pl.ds(0, q)]], buf, gsem
            ).wait()

        def wstart(s, buf, wsem):
            p0 = (s // 4) * (B // 8) * 24 + wid * win + (s % 4) * q
            pltpu.make_async_copy(buf, o_hbm.at[pl.ds(p0, q)], wsem).start()

        def wwait(buf, wsem):
            pltpu.make_async_copy(buf, o_hbm.at[pl.ds(0, q)], wsem).wait()

        for k in range(4):
            gstart(k, bufs[k], gsems[k])

        @pl.loop(0, nsteps, step=4)
        def _(s):
            for k in range(4):
                gwait(bufs[k], gsems[k])
                wstart(s + k, bufs[k], wsems[k])
            for k in range(4):

                @pl.when(s + 4 + k < nsteps)
                def _(k=k):
                    wwait(bufs[k], wsems[k])
                    gstart(s + 4 + k, bufs[k], gsems[k])

        for k in range(4):
            wwait(bufs[k], wsems[k])

    rows = gather_kernel(
        onset_idx.astype(jnp.int32),
        rhyme_idx.astype(jnp.int32),
        tone_idx.astype(jnp.int32),
        onset_table,
        rhyme_table,
        tone_table,
    )
    out = (
        rows.reshape(L, B // 8, 3, 8, D)
        .transpose(1, 3, 0, 2, 4)
        .reshape(B, L, 3 * D)
    )
    return out

# --- scband reference (transcript-rebuilt; emitter-appended) ---
"""Pipeline reference for scband-phoneme-embedding-26946624815186 (READ-ONLY COPY).

The authoritative reference and input builder live on the scoring server;
editing this copy changes nothing except your own understanding.
"""

import jax, jax.numpy as jnp
import numpy as np

B, L, D = 4096, 50, 128
V_ONSET, V_RHYME, V_TONE = 1000, 1000, 1000


def setup_inputs(seed: int = 0) -> dict:
    key = jax.random.key(seed)
    k1, k2, k3, k4, k5, k6 = jax.random.split(key, 6)
    return {
        "onset_idx": jax.random.randint(k1, (B, L), 0, V_ONSET, dtype=jnp.int64 if jax.config.jax_enable_x64 else jnp.int32),
        "rhyme_idx": jax.random.randint(k2, (B, L), 0, V_RHYME, dtype=jnp.int64 if jax.config.jax_enable_x64 else jnp.int32),
        "tone_idx": jax.random.randint(k3, (B, L), 0, V_TONE, dtype=jnp.int64 if jax.config.jax_enable_x64 else jnp.int32),
        "onset_table": jax.random.normal(k4, (V_ONSET, D), dtype=jnp.float32) * 0.02,
        "rhyme_table": jax.random.normal(k5, (V_RHYME, D), dtype=jnp.float32) * 0.02,
        "tone_table": jax.random.normal(k6, (V_TONE, D), dtype=jnp.float32) * 0.02,
    }


def reference(onset_idx, rhyme_idx, tone_idx, onset_table, rhyme_table, tone_table):
    # Tensorized form of PhonemeEmbedding.forward: each token has a precomputed
    # (onset, rhyme, tone) index triple; look up each sub-embedding and
    # concatenate along the feature axis (the torch.cat((onset, rhyme, tone), -1)
    # path). Dropout is identity in eval mode (dropout_rate=0.0).
    onset_emb = jnp.take(onset_table, onset_idx, axis=0)
    rhyme_emb = jnp.take(rhyme_table, rhyme_idx, axis=0)
    tone_emb = jnp.take(tone_table, tone_idx, axis=0)
    word_emb = jnp.concatenate([onset_emb, rhyme_emb, tone_emb], axis=-1)
    return word_emb

if __name__ == "__main__":
    import jax
    _d = setup_inputs()
    print(jax.jit(kernel)(*tuple(_d.values())))

</pallas_src>

<mosaic_0001>
#map = affine_map<(d0, d1) -> (0, 0)>
module attributes {stable_mosaic.version = 14 : i64} {
  func.func @gather_kernel(%arg0: i32, %arg1: i32, %arg2: memref<4096x50xi32, #tpu.memory_space<hbm>>, %arg3: memref<4096x50xi32, #tpu.memory_space<hbm>>, %arg4: memref<4096x50xi32, #tpu.memory_space<hbm>>, %arg5: memref<1000x128xf32, #tpu.memory_space<hbm>>, %arg6: memref<1000x128xf32, #tpu.memory_space<hbm>>, %arg7: memref<1000x128xf32, #tpu.memory_space<hbm>>, %arg8: memref<614400x128xf32, #tpu.memory_space<hbm>>, %arg9: memref<3000x128xf32, #tpu.memory_space<vmem_shared>>, %arg10: memref<128x50xi32, #tpu.memory_space<vmem>>, %arg11: memref<19200xi32, #tpu.memory_space<vmem>>, %arg12: memref<96x128xf32, #tpu.memory_space<vmem>>, %arg13: memref<96x128xf32, #tpu.memory_space<vmem>>, %arg14: memref<96x128xf32, #tpu.memory_space<vmem>>, %arg15: memref<96x128xf32, #tpu.memory_space<vmem>>, %arg16: memref<!tpu.dma_semaphore, #tpu.memory_space<semaphore_mem>>, %arg17: memref<!tpu.dma_semaphore, #tpu.memory_space<semaphore_mem>>, %arg18: memref<!tpu.dma_semaphore, #tpu.memory_space<semaphore_mem>>, %arg19: memref<!tpu.dma_semaphore, #tpu.memory_space<semaphore_mem>>, %arg20: memref<!tpu.dma_semaphore, #tpu.memory_space<semaphore_mem>>, %arg21: memref<!tpu.dma_semaphore, #tpu.memory_space<semaphore_mem>>, %arg22: memref<!tpu.dma_semaphore, #tpu.memory_space<semaphore_mem>>, %arg23: memref<!tpu.dma_semaphore, #tpu.memory_space<semaphore_mem>>) attributes {dimension_semantics = [#tpu.dimension_semantics<core_parallel>, #tpu.dimension_semantics<subcore_parallel>], iteration_bounds = array<i64: 2, 16>, scalar_prefetch = 0 : i64, scratch_operands = 15 : i64, tpu.core_type = #tpu.core_type<sc_vector_subcore>, window_params = [{transform_indices = #map}, {transform_indices = #map}, {transform_indices = #map}, {transform_indices = #map}, {transform_indices = #map}, {transform_indices = #map}, {transform_indices = #map}]} {
    %mul3A = arith.constant 16 : i32
    %mul3A_0 = arith.muli %arg0, %mul3A : i32
    %add3A = arith.addi %mul3A_0, %arg1 : i32
    %mul3A_1 = arith.constant 128 : i32
    %mul3A_2 = arith.muli %add3A, %mul3A_1 : i32
    %eq3A = arith.constant 0 : i32
    %eq3A_3 = arith.cmpi eq, %arg1, %eq3A : i32
    %convert_element_type3A = arith.extui %eq3A_3 : i1 to i32
    %cond3A = arith.constant 0 : i32
    %cond3A_4 = arith.cmpi ne, %convert_element_type3A, %cond3A : i32
    scf.if %cond3A_4 {
      %dma_start3A_129 = arith.constant 0 : i32
      %dma_start3A_130 = arith.constant 0 : i32
      %dma_start3A_131 = tpu.memref_slice %arg9[%dma_start3A_129, %dma_start3A_130] : memref<3000x128xf32, #tpu.memory_space<vmem_shared>> -> memref<1000x128xf32, #tpu.memory_space<vmem_shared>>
      tpu.enqueue_dma source(%arg5 : memref<1000x128xf32, #tpu.memory_space<hbm>>) target(%dma_start3A_131 : memref<1000x128xf32, #tpu.memory_space<vmem_shared>>) target_semaphore(%arg16 : memref<!tpu.dma_semaphore, #tpu.memory_space<semaphore_mem>>)
    } else {
    }
    %eq3A_5 = arith.constant 1 : i32
    %eq3A_6 = arith.cmpi eq, %arg1, %eq3A_5 : i32
    %convert_element_type3A_7 = arith.extui %eq3A_6 : i1 to i32
    %cond3A_8 = arith.constant 0 : i32
    %cond3A_9 = arith.cmpi ne, %convert_element_type3A_7, %cond3A_8 : i32
    scf.if %cond3A_9 {
      %dma_start3A_129 = arith.constant 1000 : i32
      %dma_start3A_130 = arith.constant 0 : i32
      %dma_start3A_131 = tpu.memref_slice %arg9[%dma_start3A_129, %dma_start3A_130] : memref<3000x128xf32, #tpu.memory_space<vmem_shared>> -> memref<1000x128xf32, #tpu.memory_space<vmem_shared>>
      tpu.enqueue_dma source(%arg6 : memref<1000x128xf32, #tpu.memory_space<hbm>>) target(%dma_start3A_131 : memref<1000x128xf32, #tpu.memory_space<vmem_shared>>) target_semaphore(%arg16 : memref<!tpu.dma_semaphore, #tpu.memory_space<semaphore_mem>>)
    } else {
    }
    %eq3A_10 = arith.constant 2 : i32
    %eq3A_11 = arith.cmpi eq, %arg1, %eq3A_10 : i32
    %convert_element_type3A_12 = arith.extui %eq3A_11 : i1 to i32
    %cond3A_13 = arith.constant 0 : i32
    %cond3A_14 = arith.cmpi ne, %convert_element_type3A_12, %cond3A_13 : i32
    scf.if %cond3A_14 {
      %dma_start3A_129 = arith.constant 2000 : i32
      %dma_start3A_130 = arith.constant 0 : i32
      %dma_start3A_131 = tpu.memref_slice %arg9[%dma_start3A_129, %dma_start3A_130] : memref<3000x128xf32, #tpu.memory_space<vmem_shared>> -> memref<1000x128xf32, #tpu.memory_space<vmem_shared>>
      tpu.enqueue_dma source(%arg7 : memref<1000x128xf32, #tpu.memory_space<hbm>>) target(%dma_start3A_131 : memref<1000x128xf32, #tpu.memory_space<vmem_shared>>) target_semaphore(%arg16 : memref<!tpu.dma_semaphore, #tpu.memory_space<semaphore_mem>>)
    } else {
    }
    %iota3A = tpu.iota {dimensions = array<i32: 0>} : vector<16xi32>
    %jit3A = arith.constant 8 : i32
    %div3A = vector.broadcast %jit3A : i32 to vector<16xi32>
    %div3A_15 = arith.divsi %iota3A, %div3A : vector<16xi32>
    %sign3A = arith.constant 0 : i32
    %sign3A_16 = vector.broadcast %sign3A : i32 to vector<16xi32>
    %sign3A_17 = arith.cmpi sgt, %iota3A, %sign3A_16 : vector<16xi32>
    %sign3A_18 = arith.extui %sign3A_17 : vector<16xi1> to vector<16xi32>
    %sign3A_19 = arith.constant 0 : i32
    %sign3A_20 = vector.broadcast %sign3A_19 : i32 to vector<16xi32>
    %sign3A_21 = arith.cmpi slt, %iota3A, %sign3A_20 : vector<16xi32>
    %sign3A_22 = arith.extui %sign3A_21 : vector<16xi1> to vector<16xi32>
    %sign3A_23 = arith.subi %sign3A_18, %sign3A_22 : vector<16xi32>
    %sign3A_24 = arith.constant 0 : i32
    %sign3A_25 = arith.cmpi sgt, %jit3A, %sign3A_24 : i32
    %sign3A_26 = arith.extui %sign3A_25 : i1 to i32
    %sign3A_27 = arith.constant 0 : i32
    %sign3A_28 = arith.cmpi slt, %jit3A, %sign3A_27 : i32
    %sign3A_29 = arith.extui %sign3A_28 : i1 to i32
    %sign3A_30 = arith.subi %sign3A_26, %sign3A_29 : i32
    %ne3A = vector.broadcast %sign3A_30 : i32 to vector<16xi32>
    %ne3A_31 = arith.cmpi ne, %sign3A_23, %ne3A : vector<16xi32>
    %rem3A = vector.broadcast %jit3A : i32 to vector<16xi32>
    %rem3A_32 = arith.remsi %iota3A, %rem3A : vector<16xi32>
    %ne3A_33 = arith.constant 0 : i32
    %ne3A_34 = vector.broadcast %ne3A_33 : i32 to vector<16xi32>
    %ne3A_35 = arith.cmpi ne, %rem3A_32, %ne3A_34 : vector<16xi32>
    %and3A = arith.andi %ne3A_31, %ne3A_35 : vector<16xi1>
    %sub3A = arith.constant 1 : i32
    %sub3A_36 = vector.broadcast %sub3A : i32 to vector<16xi32>
    %sub3A_37 = arith.subi %div3A_15, %sub3A_36 : vector<16xi32>
    %select_n3A = arith.select %and3A, %sub3A_37, %div3A_15 : vector<16xi1>, vector<16xi32>
    %mul3A_38 = arith.constant 24 : i32
    %mul3A_39 = vector.broadcast %mul3A_38 : i32 to vector<16xi32>
    %mul3A_40 = arith.muli %select_n3A, %mul3A_39 : vector<16xi32>
    %jit3A_41 = arith.constant 8 : i32
    %eq3A_42 = arith.constant 0 : i32
    %eq3A_43 = arith.cmpi eq, %jit3A_41, %eq3A_42 : i32
    %jit3A_44 = arith.constant 1 : i32
    %select_n3A_45 = arith.select %eq3A_43, %jit3A_44, %jit3A_41 : i32
    %rem3A_46 = vector.broadcast %select_n3A_45 : i32 to vector<16xi32>
    %rem3A_47 = arith.remsi %iota3A, %rem3A_46 : vector<16xi32>
    %ne3A_48 = arith.constant 0 : i32
    %ne3A_49 = vector.broadcast %ne3A_48 : i32 to vector<16xi32>
    %ne3A_50 = arith.cmpi ne, %rem3A_47, %ne3A_49 : vector<16xi32>
    %lt3A = arith.constant 0 : i32
    %lt3A_51 = vector.broadcast %lt3A : i32 to vector<16xi32>
    %lt3A_52 = arith.cmpi slt, %rem3A_47, %lt3A_51 : vector<16xi32>
    %lt3A_53 = arith.constant 0 : i32
    %lt3A_54 = arith.cmpi slt, %select_n3A_45, %lt3A_53 : i32
    %ne3A_55 = vector.broadcast %lt3A_54 : i1 to vector<16xi1>
    %ne3A_56 = vector.broadcast %ne3A_55 : vector<16xi1> to vector<16xi1>
    %ne3A_57 = arith.xori %lt3A_52, %ne3A_56 : vector<16xi1>
    %and3A_58 = arith.andi %ne3A_57, %ne3A_50 : vector<16xi1>
    %add3A_59 = vector.broadcast %select_n3A_45 : i32 to vector<16xi32>
    %add3A_60 = arith.addi %rem3A_47, %add3A_59 : vector<16xi32>
    %select_n3A_61 = arith.select %and3A_58, %add3A_60, %rem3A_47 : vector<16xi1>, vector<16xi32>
    %add3A_62 = arith.addi %mul3A_40, %select_n3A_61 : vector<16xi32>
    "tpu.region"() ({
      %run_scoped3A = tpu.sem_alloc : memref<!tpu.dma_semaphore, #tpu.memory_space<semaphore_mem>>
      %dma_start3A_129 = arith.constant 0 : i32
      %dma_start3A_130 = tpu.memref_slice %arg2[%mul3A_2, %dma_start3A_129] : memref<4096x50xi32, #tpu.memory_space<hbm>> -> memref<128x50xi32, #tpu.memory_space<hbm>>
      %dma_start3A_131 = arith.constant 0 : i32
      %dma_start3A_132 = tpu.memref_slice %arg2[%mul3A_2, %dma_start3A_131] : memref<4096x50xi32, #tpu.memory_space<hbm>> -> memref<128x50xi32, #tpu.memory_space<hbm>>
      tpu.enqueue_dma source(%dma_start3A_132 : memref<128x50xi32, #tpu.memory_space<hbm>>) target(%arg10 : memref<128x50xi32, #tpu.memory_space<vmem>>) target_semaphore(%run_scoped3A : memref<!tpu.dma_semaphore, #tpu.memory_space<semaphore_mem>>)
      %dma_wait3A_133 = arith.constant 0 : i32
      %dma_wait3A_134 = tpu.memref_slice %arg2[%mul3A_2, %dma_wait3A_133] : memref<4096x50xi32, #tpu.memory_space<hbm>> -> memref<128x50xi32, #tpu.memory_space<hbm>>
      %dma_wait3A_135 = arith.constant 0 : i32
      %dma_wait3A_136 = tpu.memref_slice %arg2[%mul3A_2, %dma_wait3A_135] : memref<4096x50xi32, #tpu.memory_space<hbm>> -> memref<128x50xi32, #tpu.memory_space<hbm>>
      tpu.wait_dma2 semaphore(%run_scoped3A : memref<!tpu.dma_semaphore, #tpu.memory_space<semaphore_mem>>) src(%dma_wait3A_136 : memref<128x50xi32, #tpu.memory_space<hbm>>) dst(%arg10 : memref<128x50xi32, #tpu.memory_space<vmem>>)
      tpu.yield
    }) : () -> ()
    %scan3A = arith.constant 0 : i32
    %scan3A_63 = arith.constant 50 : i32
    %scan3A_64 = arith.addi %scan3A, %scan3A_63 : i32
    %scan3A_65 = arith.constant 1 : i32
    scf.for %scan3A_129 = %scan3A to %scan3A_64 step %scan3A_65  : i32 {
      %mul3A_130 = arith.constant 1 : i32
      %mul3A_131 = arith.muli %scan3A_129, %mul3A_130 : i32
      %add3A_132 = arith.constant 0 : i32
      %add3A_133 = arith.addi %add3A_132, %mul3A_131 : i32
      %add3A_134 = arith.constant 0 : i32
      %add3A_135 = vector.broadcast %add3A_134 : i32 to vector<16xi32>
      %add3A_136 = arith.addi %add3A_135, %iota3A : vector<16xi32>
      %broadcast_in_dim3A = vector.broadcast %add3A_133 : i32 to vector<16xi32>
      %gather3A = tpu.vector_load_idx %arg10[%add3A_136, %broadcast_in_dim3A] : memref<128x50xi32, #tpu.memory_space<vmem>>[vector<16xi32>, vector<16xi32>], vector<16xi32>,
      %add3A_137 = arith.constant 0 : i32
      %add3A_138 = vector.broadcast %add3A_137 : i32 to vector<16xi32>
      %add3A_139 = arith.addi %gather3A, %add3A_138 : vector<16xi32>
      %mul3A_140 = arith.constant 384 : i32
      %mul3A_141 = arith.muli %add3A_133, %mul3A_140 : i32
      %add3A_142 = arith.constant 0 : i32
      %add3A_143 = arith.addi %mul3A_141, %add3A_142 : i32
      %add3A_144 = arith.constant 0 : i32
      %add3A_145 = arith.addi %add3A_143, %add3A_144 : i32
      %add3A_146 = vector.broadcast %add3A_145 : i32 to vector<16xi32>
      %add3A_147 = arith.addi %add3A_146, %add3A_62 : vector<16xi32>
      tpu.vector_store_idx %arg11[%add3A_147], %add3A_139 : memref<19200xi32, #tpu.memory_space<vmem>>[vector<16xi32>], vector<16xi32>,
      %add3A_148 = arith.constant 16 : i32
      %add3A_149 = vector.broadcast %add3A_148 : i32 to vector<16xi32>
      %add3A_150 = arith.addi %add3A_149, %iota3A : vector<16xi32>
      %broadcast_in_dim3A_151 = vector.broadcast %add3A_133 : i32 to vector<16xi32>
      %gather3A_152 = tpu.vector_load_idx %arg10[%add3A_150, %broadcast_in_dim3A_151] : memref<128x50xi32, #tpu.memory_space<vmem>>[vector<16xi32>, vector<16xi32>], vector<16xi32>,
      %add3A_153 = arith.constant 0 : i32
      %add3A_154 = vector.broadcast %add3A_153 : i32 to vector<16xi32>
      %add3A_155 = arith.addi %gather3A_152, %add3A_154 : vector<16xi32>
      %mul3A_156 = arith.constant 384 : i32
      %mul3A_157 = arith.muli %add3A_133, %mul3A_156 : i32
      %add3A_158 = arith.constant 48 : i32
      %add3A_159 = arith.addi %mul3A_157, %add3A_158 : i32
      %add3A_160 = arith.constant 0 : i32
      %add3A_161 = arith.addi %add3A_159, %add3A_160 : i32
      %add3A_162 = vector.broadcast %add3A_161 : i32 to vector<16xi32>
      %add3A_163 = arith.addi %add3A_162, %add3A_62 : vector<16xi32>
      tpu.vector_store_idx %arg11[%add3A_163], %add3A_155 : memref<19200xi32, #tpu.memory_space<vmem>>[vector<16xi32>], vector<16xi32>,
      %add3A_164 = arith.constant 32 : i32
      %add3A_165 = vector.broadcast %add3A_164 : i32 to vector<16xi32>
      %add3A_166 = arith.addi %add3A_165, %iota3A : vector<16xi32>
      %broadcast_in_dim3A_167 = vector.broadcast %add3A_133 : i32 to vector<16xi32>
      %gather3A_168 = tpu.vector_load_idx %arg10[%add3A_166, %broadcast_in_dim3A_167] : memref<128x50xi32, #tpu.memory_space<vmem>>[vector<16xi32>, vector<16xi32>], vector<16xi32>,
      %add3A_169 = arith.constant 0 : i32
      %add3A_170 = vector.broadcast %add3A_169 : i32 to vector<16xi32>
      %add3A_171 = arith.addi %gather3A_168, %add3A_170 : vector<16xi32>
      %mul3A_172 = arith.constant 384 : i32
      %mul3A_173 = arith.muli %add3A_133, %mul3A_172 : i32
      %add3A_174 = arith.constant 96 : i32
      %add3A_175 = arith.addi %mul3A_173, %add3A_174 : i32
      %add3A_176 = arith.constant 0 : i32
      %add3A_177 = arith.addi %add3A_175, %add3A_176 : i32
      %add3A_178 = vector.broadcast %add3A_177 : i32 to vector<16xi32>
      %add3A_179 = arith.addi %add3A_178, %add3A_62 : vector<16xi32>
      tpu.vector_store_idx %arg11[%add3A_179], %add3A_171 : memref<19200xi32, #tpu.memory_space<vmem>>[vector<16xi32>], vector<16xi32>,
      %add3A_180 = arith.constant 48 : i32
      %add3A_181 = vector.broadcast %add3A_180 : i32 to vector<16xi32>
      %add3A_182 = arith.addi %add3A_181, %iota3A : vector<16xi32>
      %broadcast_in_dim3A_183 = vector.broadcast %add3A_133 : i32 to vector<16xi32>
      %gather3A_184 = tpu.vector_load_idx %arg10[%add3A_182, %broadcast_in_dim3A_183] : memref<128x50xi32, #tpu.memory_space<vmem>>[vector<16xi32>, vector<16xi32>], vector<16xi32>,
      %add3A_185 = arith.constant 0 : i32
      %add3A_186 = vector.broadcast %add3A_185 : i32 to vector<16xi32>
      %add3A_187 = arith.addi %gather3A_184, %add3A_186 : vector<16xi32>
      %mul3A_188 = arith.constant 384 : i32
      %mul3A_189 = arith.muli %add3A_133, %mul3A_188 : i32
      %add3A_190 = arith.constant 144 : i32
      %add3A_191 = arith.addi %mul3A_189, %add3A_190 : i32
      %add3A_192 = arith.constant 0 : i32
      %add3A_193 = arith.addi %add3A_191, %add3A_192 : i32
      %add3A_194 = vector.broadcast %add3A_193 : i32 to vector<16xi32>
      %add3A_195 = arith.addi %add3A_194, %add3A_62 : vector<16xi32>
      tpu.vector_store_idx %arg11[%add3A_195], %add3A_187 : memref<19200xi32, #tpu.memory_space<vmem>>[vector<16xi32>], vector<16xi32>,
      %add3A_196 = arith.constant 64 : i32
      %add3A_197 = vector.broadcast %add3A_196 : i32 to vector<16xi32>
      %add3A_198 = arith.addi %add3A_197, %iota3A : vector<16xi32>
      %broadcast_in_dim3A_199 = vector.broadcast %add3A_133 : i32 to vector<16xi32>
      %gather3A_200 = tpu.vector_load_idx %arg10[%add3A_198, %broadcast_in_dim3A_199] : memref<128x50xi32, #tpu.memory_space<vmem>>[vector<16xi32>, vector<16xi32>], vector<16xi32>,
      %add3A_201 = arith.constant 0 : i32
      %add3A_202 = vector.broadcast %add3A_201 : i32 to vector<16xi32>
      %add3A_203 = arith.addi %gather3A_200, %add3A_202 : vector<16xi32>
      %mul3A_204 = arith.constant 384 : i32
      %mul3A_205 = arith.muli %add3A_133, %mul3A_204 : i32
      %add3A_206 = arith.constant 192 : i32
      %add3A_207 = arith.addi %mul3A_205, %add3A_206 : i32
      %add3A_208 = arith.constant 0 : i32
      %add3A_209 = arith.addi %add3A_207, %add3A_208 : i32
      %add3A_210 = vector.broadcast %add3A_209 : i32 to vector<16xi32>
      %add3A_211 = arith.addi %add3A_210, %add3A_62 : vector<16xi32>
      tpu.vector_store_idx %arg11[%add3A_211], %add3A_203 : memref<19200xi32, #tpu.memory_space<vmem>>[vector<16xi32>], vector<16xi32>,
      %add3A_212 = arith.constant 80 : i32
      %add3A_213 = vector.broadcast %add3A_212 : i32 to vector<16xi32>
      %add3A_214 = arith.addi %add3A_213, %iota3A : vector<16xi32>
      %broadcast_in_dim3A_215 = vector.broadcast %add3A_133 : i32 to vector<16xi32>
      %gather3A_216 = tpu.vector_load_idx %arg10[%add3A_214, %broadcast_in_dim3A_215] : memref<128x50xi32, #tpu.memory_space<vmem>>[vector<16xi32>, vector<16xi32>], vector<16xi32>,
      %add3A_217 = arith.constant 0 : i32
      %add3A_218 = vector.broadcast %add3A_217 : i32 to vector<16xi32>
      %add3A_219 = arith.addi %gather3A_216, %add3A_218 : vector<16xi32>
      %mul3A_220 = arith.constant 384 : i32
      %mul3A_221 = arith.muli %add3A_133, %mul3A_220 : i32
      %add3A_222 = arith.constant 240 : i32
      %add3A_223 = arith.addi %mul3A_221, %add3A_222 : i32
      %add3A_224 = arith.constant 0 : i32
      %add3A_225 = arith.addi %add3A_223, %add3A_224 : i32
      %add3A_226 = vector.broadcast %add3A_225 : i32 to vector<16xi32>
      %add3A_227 = arith.addi %add3A_226, %add3A_62 : vector<16xi32>
      tpu.vector_store_idx %arg11[%add3A_227], %add3A_219 : memref<19200xi32, #tpu.memory_space<vmem>>[vector<16xi32>], vector<16xi32>,
      %add3A_228 = arith.constant 96 : i32
      %add3A_229 = vector.broadcast %add3A_228 : i32 to vector<16xi32>
      %add3A_230 = arith.addi %add3A_229, %iota3A : vector<16xi32>
      %broadcast_in_dim3A_231 = vector.broadcast %add3A_133 : i32 to vector<16xi32>
      %gather3A_232 = tpu.vector_load_idx %arg10[%add3A_230, %broadcast_in_dim3A_231] : memref<128x50xi32, #tpu.memory_space<vmem>>[vector<16xi32>, vector<16xi32>], vector<16xi32>,
      %add3A_233 = arith.constant 0 : i32
      %add3A_234 = vector.broadcast %add3A_233 : i32 to vector<16xi32>
      %add3A_235 = arith.addi %gather3A_232, %add3A_234 : vector<16xi32>
      %mul3A_236 = arith.constant 384 : i32
      %mul3A_237 = arith.muli %add3A_133, %mul3A_236 : i32
      %add3A_238 = arith.constant 288 : i32
      %add3A_239 = arith.addi %mul3A_237, %add3A_238 : i32
      %add3A_240 = arith.constant 0 : i32
      %add3A_241 = arith.addi %add3A_239, %add3A_240 : i32
      %add3A_242 = vector.broadcast %add3A_241 : i32 to vector<16xi32>
      %add3A_243 = arith.addi %add3A_242, %add3A_62 : vector<16xi32>
      tpu.vector_store_idx %arg11[%add3A_243], %add3A_235 : memref<19200xi32, #tpu.memory_space<vmem>>[vector<16xi32>], vector<16xi32>,
      %add3A_244 = arith.constant 112 : i32
      %add3A_245 = vector.broadcast %add3A_244 : i32 to vector<16xi32>
      %add3A_246 = arith.addi %add3A_245, %iota3A : vector<16xi32>
      %broadcast_in_dim3A_247 = vector.broadcast %add3A_133 : i32 to vector<16xi32>
      %gather3A_248 = tpu.vector_load_idx %arg10[%add3A_246, %broadcast_in_dim3A_247] : memref<128x50xi32, #tpu.memory_space<vmem>>[vector<16xi32>, vector<16xi32>], vector<16xi32>,
      %add3A_249 = arith.constant 0 : i32
      %add3A_250 = vector.broadcast %add3A_249 : i32 to vector<16xi32>
      %add3A_251 = arith.addi %gather3A_248, %add3A_250 : vector<16xi32>
      %mul3A_252 = arith.constant 384 : i32
      %mul3A_253 = arith.muli %add3A_133, %mul3A_252 : i32
      %add3A_254 = arith.constant 336 : i32
      %add3A_255 = arith.addi %mul3A_253, %add3A_254 : i32
      %add3A_256 = arith.constant 0 : i32
      %add3A_257 = arith.addi %add3A_255, %add3A_256 : i32
      %add3A_258 = vector.broadcast %add3A_257 : i32 to vector<16xi32>
      %add3A_259 = arith.addi %add3A_258, %add3A_62 : vector<16xi32>
      tpu.vector_store_idx %arg11[%add3A_259], %add3A_251 : memref<19200xi32, #tpu.memory_space<vmem>>[vector<16xi32>], vector<16xi32>,
    }
    %scan3A_66 = arith.constant 50 : i32
    "tpu.region"() ({
      %run_scoped3A = tpu.sem_alloc : memref<!tpu.dma_semaphore, #tpu.memory_space<semaphore_mem>>
      %dma_start3A_129 = arith.constant 0 : i32
      %dma_start3A_130 = tpu.memref_slice %arg3[%mul3A_2, %dma_start3A_129] : memref<4096x50xi32, #tpu.memory_space<hbm>> -> memref<128x50xi32, #tpu.memory_space<hbm>>
      %dma_start3A_131 = arith.constant 0 : i32
      %dma_start3A_132 = tpu.memref_slice %arg3[%mul3A_2, %dma_start3A_131] : memref<4096x50xi32, #tpu.memory_space<hbm>> -> memref<128x50xi32, #tpu.memory_space<hbm>>
      tpu.enqueue_dma source(%dma_start3A_132 : memref<128x50xi32, #tpu.memory_space<hbm>>) target(%arg10 : memref<128x50xi32, #tpu.memory_space<vmem>>) target_semaphore(%run_scoped3A : memref<!tpu.dma_semaphore, #tpu.memory_space<semaphore_mem>>)
      %dma_wait3A_133 = arith.constant 0 : i32
      %dma_wait3A_134 = tpu.memref_slice %arg3[%mul3A_2, %dma_wait3A_133] : memref<4096x50xi32, #tpu.memory_space<hbm>> -> memref<128x50xi32, #tpu.memory_space<hbm>>
      %dma_wait3A_135 = arith.constant 0 : i32
      %dma_wait3A_136 = tpu.memref_slice %arg3[%mul3A_2, %dma_wait3A_135] : memref<4096x50xi32, #tpu.memory_space<hbm>> -> memref<128x50xi32, #tpu.memory_space<hbm>>
      tpu.wait_dma2 semaphore(%run_scoped3A : memref<!tpu.dma_semaphore, #tpu.memory_space<semaphore_mem>>) src(%dma_wait3A_136 : memref<128x50xi32, #tpu.memory_space<hbm>>) dst(%arg10 : memref<128x50xi32, #tpu.memory_space<vmem>>)
      tpu.yield
    }) : () -> ()
    %scan3A_67 = arith.constant 0 : i32
    %scan3A_68 = arith.constant 50 : i32
    %scan3A_69 = arith.addi %scan3A_67, %scan3A_68 : i32
    %scan3A_70 = arith.constant 1 : i32
    scf.for %scan3A_129 = %scan3A_67 to %scan3A_69 step %scan3A_70  : i32 {
      %mul3A_130 = arith.constant 1 : i32
      %mul3A_131 = arith.muli %scan3A_129, %mul3A_130 : i32
      %add3A_132 = arith.constant 0 : i32
      %add3A_133 = arith.addi %add3A_132, %mul3A_131 : i32
      %add3A_134 = arith.constant 0 : i32
      %add3A_135 = vector.broadcast %add3A_134 : i32 to vector<16xi32>
      %add3A_136 = arith.addi %add3A_135, %iota3A : vector<16xi32>
      %broadcast_in_dim3A = vector.broadcast %add3A_133 : i32 to vector<16xi32>
      %gather3A = tpu.vector_load_idx %arg10[%add3A_136, %broadcast_in_dim3A] : memref<128x50xi32, #tpu.memory_space<vmem>>[vector<16xi32>, vector<16xi32>], vector<16xi32>,
      %add3A_137 = arith.constant 1000 : i32
      %add3A_138 = vector.broadcast %add3A_137 : i32 to vector<16xi32>
      %add3A_139 = arith.addi %gather3A, %add3A_138 : vector<16xi32>
      %mul3A_140 = arith.constant 384 : i32
      %mul3A_141 = arith.muli %add3A_133, %mul3A_140 : i32
      %add3A_142 = arith.constant 0 : i32
      %add3A_143 = arith.addi %mul3A_141, %add3A_142 : i32
      %add3A_144 = arith.constant 8 : i32
      %add3A_145 = arith.addi %add3A_143, %add3A_144 : i32
      %add3A_146 = vector.broadcast %add3A_145 : i32 to vector<16xi32>
      %add3A_147 = arith.addi %add3A_146, %add3A_62 : vector<16xi32>
      tpu.vector_store_idx %arg11[%add3A_147], %add3A_139 : memref<19200xi32, #tpu.memory_space<vmem>>[vector<16xi32>], vector<16xi32>,
      %add3A_148 = arith.constant 16 : i32
      %add3A_149 = vector.broadcast %add3A_148 : i32 to vector<16xi32>
      %add3A_150 = arith.addi %add3A_149, %iota3A : vector<16xi32>
      %broadcast_in_dim3A_151 = vector.broadcast %add3A_133 : i32 to vector<16xi32>
      %gather3A_152 = tpu.vector_load_idx %arg10[%add3A_150, %broadcast_in_dim3A_151] : memref<128x50xi32, #tpu.memory_space<vmem>>[vector<16xi32>, vector<16xi32>], vector<16xi32>,
      %add3A_153 = arith.constant 1000 : i32
      %add3A_154 = vector.broadcast %add3A_153 : i32 to vector<16xi32>
      %add3A_155 = arith.addi %gather3A_152, %add3A_154 : vector<16xi32>
      %mul3A_156 = arith.constant 384 : i32
      %mul3A_157 = arith.muli %add3A_133, %mul3A_156 : i32
      %add3A_158 = arith.constant 48 : i32
      %add3A_159 = arith.addi %mul3A_157, %add3A_158 : i32
      %add3A_160 = arith.constant 8 : i32
      %add3A_161 = arith.addi %add3A_159, %add3A_160 : i32
      %add3A_162 = vector.broadcast %add3A_161 : i32 to vector<16xi32>
      %add3A_163 = arith.addi %add3A_162, %add3A_62 : vector<16xi32>
      tpu.vector_store_idx %arg11[%add3A_163], %add3A_155 : memref<19200xi32, #tpu.memory_space<vmem>>[vector<16xi32>], vector<16xi32>,
      %add3A_164 = arith.constant 32 : i32
      %add3A_165 = vector.broadcast %add3A_164 : i32 to vector<16xi32>
      %add3A_166 = arith.addi %add3A_165, %iota3A : vector<16xi32>
      %broadcast_in_dim3A_167 = vector.broadcast %add3A_133 : i32 to vector<16xi32>
      %gather3A_168 = tpu.vector_load_idx %arg10[%add3A_166, %broadcast_in_dim3A_167] : memref<128x50xi32, #tpu.memory_space<vmem>>[vector<16xi32>, vector<16xi32>], vector<16xi32>,
      %add3A_169 = arith.constant 1000 : i32
      %add3A_170 = vector.broadcast %add3A_169 : i32 to vector<16xi32>
      %add3A_171 = arith.addi %gather3A_168, %add3A_170 : vector<16xi32>
      %mul3A_172 = arith.constant 384 : i32
      %mul3A_173 = arith.muli %add3A_133, %mul3A_172 : i32
      %add3A_174 = arith.constant 96 : i32
      %add3A_175 = arith.addi %mul3A_173, %add3A_174 : i32
      %add3A_176 = arith.constant 8 : i32
      %add3A_177 = arith.addi %add3A_175, %add3A_176 : i32
      %add3A_178 = vector.broadcast %add3A_177 : i32 to vector<16xi32>
      %add3A_179 = arith.addi %add3A_178, %add3A_62 : vector<16xi32>
      tpu.vector_store_idx %arg11[%add3A_179], %add3A_171 : memref<19200xi32, #tpu.memory_space<vmem>>[vector<16xi32>], vector<16xi32>,
      %add3A_180 = arith.constant 48 : i32
      %add3A_181 = vector.broadcast %add3A_180 : i32 to vector<16xi32>
      %add3A_182 = arith.addi %add3A_181, %iota3A : vector<16xi32>
      %broadcast_in_dim3A_183 = vector.broadcast %add3A_133 : i32 to vector<16xi32>
      %gather3A_184 = tpu.vector_load_idx %arg10[%add3A_182, %broadcast_in_dim3A_183] : memref<128x50xi32, #tpu.memory_space<vmem>>[vector<16xi32>, vector<16xi32>], vector<16xi32>,
      %add3A_185 = arith.constant 1000 : i32
      %add3A_186 = vector.broadcast %add3A_185 : i32 to vector<16xi32>
      %add3A_187 = arith.addi %gather3A_184, %add3A_186 : vector<16xi32>
      %mul3A_188 = arith.constant 384 : i32
      %mul3A_189 = arith.muli %add3A_133, %mul3A_188 : i32
      %add3A_190 = arith.constant 144 : i32
      %add3A_191 = arith.addi %mul3A_189, %add3A_190 : i32
      %add3A_192 = arith.constant 8 : i32
      %add3A_193 = arith.addi %add3A_191, %add3A_192 : i32
      %add3A_194 = vector.broadcast %add3A_193 : i32 to vector<16xi32>
      %add3A_195 = arith.addi %add3A_194, %add3A_62 : vector<16xi32>
      tpu.vector_store_idx %arg11[%add3A_195], %add3A_187 : memref<19200xi32, #tpu.memory_space<vmem>>[vector<16xi32>], vector<16xi32>,
      %add3A_196 = arith.constant 64 : i32
      %add3A_197 = vector.broadcast %add3A_196 : i32 to vector<16xi32>
      %add3A_198 = arith.addi %add3A_197, %iota3A : vector<16xi32>
      %broadcast_in_dim3A_199 = vector.broadcast %add3A_133 : i32 to vector<16xi32>
      %gather3A_200 = tpu.vector_load_idx %arg10[%add3A_198, %broadcast_in_dim3A_199] : memref<128x50xi32, #tpu.memory_space<vmem>>[vector<16xi32>, vector<16xi32>], vector<16xi32>,
      %add3A_201 = arith.constant 1000 : i32
      %add3A_202 = vector.broadcast %add3A_201 : i32 to vector<16xi32>
      %add3A_203 = arith.addi %gather3A_200, %add3A_202 : vector<16xi32>
      %mul3A_204 = arith.constant 384 : i32
      %mul3A_205 = arith.muli %add3A_133, %mul3A_204 : i32
      %add3A_206 = arith.constant 192 : i32
      %add3A_207 = arith.addi %mul3A_205, %add3A_206 : i32
      %add3A_208 = arith.constant 8 : i32
      %add3A_209 = arith.addi %add3A_207, %add3A_208 : i32
      %add3A_210 = vector.broadcast %add3A_209 : i32 to vector<16xi32>
      %add3A_211 = arith.addi %add3A_210, %add3A_62 : vector<16xi32>
      tpu.vector_store_idx %arg11[%add3A_211], %add3A_203 : memref<19200xi32, #tpu.memory_space<vmem>>[vector<16xi32>], vector<16xi32>,
      %add3A_212 = arith.constant 80 : i32
      %add3A_213 = vector.broadcast %add3A_212 : i32 to vector<16xi32>
      %add3A_214 = arith.addi %add3A_213, %iota3A : vector<16xi32>
      %broadcast_in_dim3A_215 = vector.broadcast %add3A_133 : i32 to vector<16xi32>
      %gather3A_216 = tpu.vector_load_idx %arg10[%add3A_214, %broadcast_in_dim3A_215] : memref<128x50xi32, #tpu.memory_space<vmem>>[vector<16xi32>, vector<16xi32>], vector<16xi32>,
      %add3A_217 = arith.constant 1000 : i32
      %add3A_218 = vector.broadcast %add3A_217 : i32 to vector<16xi32>
      %add3A_219 = arith.addi %gather3A_216, %add3A_218 : vector<16xi32>
      %mul3A_220 = arith.constant 384 : i32
      %mul3A_221 = arith.muli %add3A_133, %mul3A_220 : i32
      %add3A_222 = arith.constant 240 : i32
      %add3A_223 = arith.addi %mul3A_221, %add3A_222 : i32
      %add3A_224 = arith.constant 8 : i32
      %add3A_225 = arith.addi %add3A_223, %add3A_224 : i32
      %add3A_226 = vector.broadcast %add3A_225 : i32 to vector<16xi32>
      %add3A_227 = arith.addi %add3A_226, %add3A_62 : vector<16xi32>
      tpu.vector_store_idx %arg11[%add3A_227], %add3A_219 : memref<19200xi32, #tpu.memory_space<vmem>>[vector<16xi32>], vector<16xi32>,
      %add3A_228 = arith.constant 96 : i32
      %add3A_229 = vector.broadcast %add3A_228 : i32 to vector<16xi32>
      %add3A_230 = arith.addi %add3A_229, %iota3A : vector<16xi32>
      %broadcast_in_dim3A_231 = vector.broadcast %add3A_133 : i32 to vector<16xi32>
      %gather3A_232 = tpu.vector_load_idx %arg10[%add3A_230, %broadcast_in_dim3A_231] : memref<128x50xi32, #tpu.memory_space<vmem>>[vector<16xi32>, vector<16xi32>], vector<16xi32>,
      %add3A_233 = arith.constant 1000 : i32
      %add3A_234 = vector.broadcast %add3A_233 : i32 to vector<16xi32>
      %add3A_235 = arith.addi %gather3A_232, %add3A_234 : vector<16xi32>
      %mul3A_236 = arith.constant 384 : i32
      %mul3A_237 = arith.muli %add3A_133, %mul3A_236 : i32
      %add3A_238 = arith.constant 288 : i32
      %add3A_239 = arith.addi %mul3A_237, %add3A_238 : i32
      %add3A_240 = arith.constant 8 : i32
      %add3A_241 = arith.addi %add3A_239, %add3A_240 : i32
      %add3A_242 = vector.broadcast %add3A_241 : i32 to vector<16xi32>
      %add3A_243 = arith.addi %add3A_242, %add3A_62 : vector<16xi32>
      tpu.vector_store_idx %arg11[%add3A_243], %add3A_235 : memref<19200xi32, #tpu.memory_space<vmem>>[vector<16xi32>], vector<16xi32>,
      %add3A_244 = arith.constant 112 : i32
      %add3A_245 = vector.broadcast %add3A_244 : i32 to vector<16xi32>
      %add3A_246 = arith.addi %add3A_245, %iota3A : vector<16xi32>
      %broadcast_in_dim3A_247 = vector.broadcast %add3A_133 : i32 to vector<16xi32>
      %gather3A_248 = tpu.vector_load_idx %arg10[%add3A_246, %broadcast_in_dim3A_247] : memref<128x50xi32, #tpu.memory_space<vmem>>[vector<16xi32>, vector<16xi32>], vector<16xi32>,
      %add3A_249 = arith.constant 1000 : i32
      %add3A_250 = vector.broadcast %add3A_249 : i32 to vector<16xi32>
      %add3A_251 = arith.addi %gather3A_248, %add3A_250 : vector<16xi32>
      %mul3A_252 = arith.constant 384 : i32
      %mul3A_253 = arith.muli %add3A_133, %mul3A_252 : i32
      %add3A_254 = arith.constant 336 : i32
      %add3A_255 = arith.addi %mul3A_253, %add3A_254 : i32
      %add3A_256 = arith.constant 8 : i32
      %add3A_257 = arith.addi %add3A_255, %add3A_256 : i32
      %add3A_258 = vector.broadcast %add3A_257 : i32 to vector<16xi32>
      %add3A_259 = arith.addi %add3A_258, %add3A_62 : vector<16xi32>
      tpu.vector_store_idx %arg11[%add3A_259], %add3A_251 : memref<19200xi32, #tpu.memory_space<vmem>>[vector<16xi32>], vector<16xi32>,
    }
    %scan3A_71 = arith.constant 50 : i32
    "tpu.region"() ({
      %run_scoped3A = tpu.sem_alloc : memref<!tpu.dma_semaphore, #tpu.memory_space<semaphore_mem>>
      %dma_start3A_129 = arith.constant 0 : i32
      %dma_start3A_130 = tpu.memref_slice %arg4[%mul3A_2, %dma_start3A_129] : memref<4096x50xi32, #tpu.memory_space<hbm>> -> memref<128x50xi32, #tpu.memory_space<hbm>>
      %dma_start3A_131 = arith.constant 0 : i32
      %dma_start3A_132 = tpu.memref_slice %arg4[%mul3A_2, %dma_start3A_131] : memref<4096x50xi32, #tpu.memory_space<hbm>> -> memref<128x50xi32, #tpu.memory_space<hbm>>
      tpu.enqueue_dma source(%dma_start3A_132 : memref<128x50xi32, #tpu.memory_space<hbm>>) target(%arg10 : memref<128x50xi32, #tpu.memory_space<vmem>>) target_semaphore(%run_scoped3A : memref<!tpu.dma_semaphore, #tpu.memory_space<semaphore_mem>>)
      %dma_wait3A_133 = arith.constant 0 : i32
      %dma_wait3A_134 = tpu.memref_slice %arg4[%mul3A_2, %dma_wait3A_133] : memref<4096x50xi32, #tpu.memory_space<hbm>> -> memref<128x50xi32, #tpu.memory_space<hbm>>
      %dma_wait3A_135 = arith.constant 0 : i32
      %dma_wait3A_136 = tpu.memref_slice %arg4[%mul3A_2, %dma_wait3A_135] : memref<4096x50xi32, #tpu.memory_space<hbm>> -> memref<128x50xi32, #tpu.memory_space<hbm>>
      tpu.wait_dma2 semaphore(%run_scoped3A : memref<!tpu.dma_semaphore, #tpu.memory_space<semaphore_mem>>) src(%dma_wait3A_136 : memref<128x50xi32, #tpu.memory_space<hbm>>) dst(%arg10 : memref<128x50xi32, #tpu.memory_space<vmem>>)
      tpu.yield
    }) : () -> ()
    %scan3A_72 = arith.constant 0 : i32
    %scan3A_73 = arith.constant 50 : i32
    %scan3A_74 = arith.addi %scan3A_72, %scan3A_73 : i32
    %scan3A_75 = arith.constant 1 : i32
    scf.for %scan3A_129 = %scan3A_72 to %scan3A_74 step %scan3A_75  : i32 {
      %mul3A_130 = arith.constant 1 : i32
      %mul3A_131 = arith.muli %scan3A_129, %mul3A_130 : i32
      %add3A_132 = arith.constant 0 : i32
      %add3A_133 = arith.addi %add3A_132, %mul3A_131 : i32
      %add3A_134 = arith.constant 0 : i32
      %add3A_135 = vector.broadcast %add3A_134 : i32 to vector<16xi32>
      %add3A_136 = arith.addi %add3A_135, %iota3A : vector<16xi32>
      %broadcast_in_dim3A = vector.broadcast %add3A_133 : i32 to vector<16xi32>
      %gather3A = tpu.vector_load_idx %arg10[%add3A_136, %broadcast_in_dim3A] : memref<128x50xi32, #tpu.memory_space<vmem>>[vector<16xi32>, vector<16xi32>], vector<16xi32>,
      %add3A_137 = arith.constant 2000 : i32
      %add3A_138 = vector.broadcast %add3A_137 : i32 to vector<16xi32>
      %add3A_139 = arith.addi %gather3A, %add3A_138 : vector<16xi32>
      %mul3A_140 = arith.constant 384 : i32
      %mul3A_141 = arith.muli %add3A_133, %mul3A_140 : i32
      %add3A_142 = arith.constant 0 : i32
      %add3A_143 = arith.addi %mul3A_141, %add3A_142 : i32
      %add3A_144 = arith.constant 16 : i32
      %add3A_145 = arith.addi %add3A_143, %add3A_144 : i32
      %add3A_146 = vector.broadcast %add3A_145 : i32 to vector<16xi32>
      %add3A_147 = arith.addi %add3A_146, %add3A_62 : vector<16xi32>
      tpu.vector_store_idx %arg11[%add3A_147], %add3A_139 : memref<19200xi32, #tpu.memory_space<vmem>>[vector<16xi32>], vector<16xi32>,
      %add3A_148 = arith.constant 16 : i32
      %add3A_149 = vector.broadcast %add3A_148 : i32 to vector<16xi32>
      %add3A_150 = arith.addi %add3A_149, %iota3A : vector<16xi32>
      %broadcast_in_dim3A_151 = vector.broadcast %add3A_133 : i32 to vector<16xi32>
      %gather3A_152 = tpu.vector_load_idx %arg10[%add3A_150, %broadcast_in_dim3A_151] : memref<128x50xi32, #tpu.memory_space<vmem>>[vector<16xi32>, vector<16xi32>], vector<16xi32>,
      %add3A_153 = arith.constant 2000 : i32
      %add3A_154 = vector.broadcast %add3A_153 : i32 to vector<16xi32>
      %add3A_155 = arith.addi %gather3A_152, %add3A_154 : vector<16xi32>
      %mul3A_156 = arith.constant 384 : i32
      %mul3A_157 = arith.muli %add3A_133, %mul3A_156 : i32
      %add3A_158 = arith.constant 48 : i32
      %add3A_159 = arith.addi %mul3A_157, %add3A_158 : i32
      %add3A_160 = arith.constant 16 : i32
      %add3A_161 = arith.addi %add3A_159, %add3A_160 : i32
      %add3A_162 = vector.broadcast %add3A_161 : i32 to vector<16xi32>
      %add3A_163 = arith.addi %add3A_162, %add3A_62 : vector<16xi32>
      tpu.vector_store_idx %arg11[%add3A_163], %add3A_155 : memref<19200xi32, #tpu.memory_space<vmem>>[vector<16xi32>], vector<16xi32>,
      %add3A_164 = arith.constant 32 : i32
      %add3A_165 = vector.broadcast %add3A_164 : i32 to vector<16xi32>
      %add3A_166 = arith.addi %add3A_165, %iota3A : vector<16xi32>
      %broadcast_in_dim3A_167 = vector.broadcast %add3A_133 : i32 to vector<16xi32>
      %gather3A_168 = tpu.vector_load_idx %arg10[%add3A_166, %broadcast_in_dim3A_167] : memref<128x50xi32, #tpu.memory_space<vmem>>[vector<16xi32>, vector<16xi32>], vector<16xi32>,
      %add3A_169 = arith.constant 2000 : i32
      %add3A_170 = vector.broadcast %add3A_169 : i32 to vector<16xi32>
      %add3A_171 = arith.addi %gather3A_168, %add3A_170 : vector<16xi32>
      %mul3A_172 = arith.constant 384 : i32
      %mul3A_173 = arith.muli %add3A_133, %mul3A_172 : i32
      %add3A_174 = arith.constant 96 : i32
      %add3A_175 = arith.addi %mul3A_173, %add3A_174 : i32
      %add3A_176 = arith.constant 16 : i32
      %add3A_177 = arith.addi %add3A_175, %add3A_176 : i32
      %add3A_178 = vector.broadcast %add3A_177 : i32 to vector<16xi32>
      %add3A_179 = arith.addi %add3A_178, %add3A_62 : vector<16xi32>
      tpu.vector_store_idx %arg11[%add3A_179], %add3A_171 : memref<19200xi32, #tpu.memory_space<vmem>>[vector<16xi32>], vector<16xi32>,
      %add3A_180 = arith.constant 48 : i32
      %add3A_181 = vector.broadcast %add3A_180 : i32 to vector<16xi32>
      %add3A_182 = arith.addi %add3A_181, %iota3A : vector<16xi32>
      %broadcast_in_dim3A_183 = vector.broadcast %add3A_133 : i32 to vector<16xi32>
      %gather3A_184 = tpu.vector_load_idx %arg10[%add3A_182, %broadcast_in_dim3A_183] : memref<128x50xi32, #tpu.memory_space<vmem>>[vector<16xi32>, vector<16xi32>], vector<16xi32>,
      %add3A_185 = arith.constant 2000 : i32
      %add3A_186 = vector.broadcast %add3A_185 : i32 to vector<16xi32>
      %add3A_187 = arith.addi %gather3A_184, %add3A_186 : vector<16xi32>
      %mul3A_188 = arith.constant 384 : i32
      %mul3A_189 = arith.muli %add3A_133, %mul3A_188 : i32
      %add3A_190 = arith.constant 144 : i32
      %add3A_191 = arith.addi %mul3A_189, %add3A_190 : i32
      %add3A_192 = arith.constant 16 : i32
      %add3A_193 = arith.addi %add3A_191, %add3A_192 : i32
      %add3A_194 = vector.broadcast %add3A_193 : i32 to vector<16xi32>
      %add3A_195 = arith.addi %add3A_194, %add3A_62 : vector<16xi32>
      tpu.vector_store_idx %arg11[%add3A_195], %add3A_187 : memref<19200xi32, #tpu.memory_space<vmem>>[vector<16xi32>], vector<16xi32>,
      %add3A_196 = arith.constant 64 : i32
      %add3A_197 = vector.broadcast %add3A_196 : i32 to vector<16xi32>
      %add3A_198 = arith.addi %add3A_197, %iota3A : vector<16xi32>
      %broadcast_in_dim3A_199 = vector.broadcast %add3A_133 : i32 to vector<16xi32>
      %gather3A_200 = tpu.vector_load_idx %arg10[%add3A_198, %broadcast_in_dim3A_199] : memref<128x50xi32, #tpu.memory_space<vmem>>[vector<16xi32>, vector<16xi32>], vector<16xi32>,
      %add3A_201 = arith.constant 2000 : i32
      %add3A_202 = vector.broadcast %add3A_201 : i32 to vector<16xi32>
      %add3A_203 = arith.addi %gather3A_200, %add3A_202 : vector<16xi32>
      %mul3A_204 = arith.constant 384 : i32
      %mul3A_205 = arith.muli %add3A_133, %mul3A_204 : i32
      %add3A_206 = arith.constant 192 : i32
      %add3A_207 = arith.addi %mul3A_205, %add3A_206 : i32
      %add3A_208 = arith.constant 16 : i32
      %add3A_209 = arith.addi %add3A_207, %add3A_208 : i32
      %add3A_210 = vector.broadcast %add3A_209 : i32 to vector<16xi32>
      %add3A_211 = arith.addi %add3A_210, %add3A_62 : vector<16xi32>
      tpu.vector_store_idx %arg11[%add3A_211], %add3A_203 : memref<19200xi32, #tpu.memory_space<vmem>>[vector<16xi32>], vector<16xi32>,
      %add3A_212 = arith.constant 80 : i32
      %add3A_213 = vector.broadcast %add3A_212 : i32 to vector<16xi32>
      %add3A_214 = arith.addi %add3A_213, %iota3A : vector<16xi32>
      %broadcast_in_dim3A_215 = vector.broadcast %add3A_133 : i32 to vector<16xi32>
      %gather3A_216 = tpu.vector_load_idx %arg10[%add3A_214, %broadcast_in_dim3A_215] : memref<128x50xi32, #tpu.memory_space<vmem>>[vector<16xi32>, vector<16xi32>], vector<16xi32>,
      %add3A_217 = arith.constant 2000 : i32
      %add3A_218 = vector.broadcast %add3A_217 : i32 to vector<16xi32>
      %add3A_219 = arith.addi %gather3A_216, %add3A_218 : vector<16xi32>
      %mul3A_220 = arith.constant 384 : i32
      %mul3A_221 = arith.muli %add3A_133, %mul3A_220 : i32
      %add3A_222 = arith.constant 240 : i32
      %add3A_223 = arith.addi %mul3A_221, %add3A_222 : i32
      %add3A_224 = arith.constant 16 : i32
      %add3A_225 = arith.addi %add3A_223, %add3A_224 : i32
      %add3A_226 = vector.broadcast %add3A_225 : i32 to vector<16xi32>
      %add3A_227 = arith.addi %add3A_226, %add3A_62 : vector<16xi32>
      tpu.vector_store_idx %arg11[%add3A_227], %add3A_219 : memref<19200xi32, #tpu.memory_space<vmem>>[vector<16xi32>], vector<16xi32>,
      %add3A_228 = arith.constant 96 : i32
      %add3A_229 = vector.broadcast %add3A_228 : i32 to vector<16xi32>
      %add3A_230 = arith.addi %add3A_229, %iota3A : vector<16xi32>
      %broadcast_in_dim3A_231 = vector.broadcast %add3A_133 : i32 to vector<16xi32>
      %gather3A_232 = tpu.vector_load_idx %arg10[%add3A_230, %broadcast_in_dim3A_231] : memref<128x50xi32, #tpu.memory_space<vmem>>[vector<16xi32>, vector<16xi32>], vector<16xi32>,
      %add3A_233 = arith.constant 2000 : i32
      %add3A_234 = vector.broadcast %add3A_233 : i32 to vector<16xi32>
      %add3A_235 = arith.addi %gather3A_232, %add3A_234 : vector<16xi32>
      %mul3A_236 = arith.constant 384 : i32
      %mul3A_237 = arith.muli %add3A_133, %mul3A_236 : i32
      %add3A_238 = arith.constant 288 : i32
      %add3A_239 = arith.addi %mul3A_237, %add3A_238 : i32
      %add3A_240 = arith.constant 16 : i32
      %add3A_241 = arith.addi %add3A_239, %add3A_240 : i32
      %add3A_242 = vector.broadcast %add3A_241 : i32 to vector<16xi32>
      %add3A_243 = arith.addi %add3A_242, %add3A_62 : vector<16xi32>
      tpu.vector_store_idx %arg11[%add3A_243], %add3A_235 : memref<19200xi32, #tpu.memory_space<vmem>>[vector<16xi32>], vector<16xi32>,
      %add3A_244 = arith.constant 112 : i32
      %add3A_245 = vector.broadcast %add3A_244 : i32 to vector<16xi32>
      %add3A_246 = arith.addi %add3A_245, %iota3A : vector<16xi32>
      %broadcast_in_dim3A_247 = vector.broadcast %add3A_133 : i32 to vector<16xi32>
      %gather3A_248 = tpu.vector_load_idx %arg10[%add3A_246, %broadcast_in_dim3A_247] : memref<128x50xi32, #tpu.memory_space<vmem>>[vector<16xi32>, vector<16xi32>], vector<16xi32>,
      %add3A_249 = arith.constant 2000 : i32
      %add3A_250 = vector.broadcast %add3A_249 : i32 to vector<16xi32>
      %add3A_251 = arith.addi %gather3A_248, %add3A_250 : vector<16xi32>
      %mul3A_252 = arith.constant 384 : i32
      %mul3A_253 = arith.muli %add3A_133, %mul3A_252 : i32
      %add3A_254 = arith.constant 336 : i32
      %add3A_255 = arith.addi %mul3A_253, %add3A_254 : i32
      %add3A_256 = arith.constant 16 : i32
      %add3A_257 = arith.addi %add3A_255, %add3A_256 : i32
      %add3A_258 = vector.broadcast %add3A_257 : i32 to vector<16xi32>
      %add3A_259 = arith.addi %add3A_258, %add3A_62 : vector<16xi32>
      tpu.vector_store_idx %arg11[%add3A_259], %add3A_251 : memref<19200xi32, #tpu.memory_space<vmem>>[vector<16xi32>], vector<16xi32>,
    }
    %scan3A_76 = arith.constant 50 : i32
    %lt3A_77 = arith.constant 3 : i32
    %lt3A_78 = arith.cmpi slt, %arg1, %lt3A_77 : i32
    %convert_element_type3A_79 = arith.extui %lt3A_78 : i1 to i32
    %cond3A_80 = arith.constant 0 : i32
    %cond3A_81 = arith.cmpi ne, %convert_element_type3A_79, %cond3A_80 : i32
    scf.if %cond3A_81 {
      %dma_wait3A_129 = arith.constant 0 : i32
      %dma_wait3A_130 = arith.constant 0 : i32
      %dma_wait3A_131 = tpu.memref_slice %arg9[%dma_wait3A_129, %dma_wait3A_130] : memref<3000x128xf32, #tpu.memory_space<vmem_shared>> -> memref<1000x128xf32, #tpu.memory_space<vmem_shared>>
      tpu.wait_dma2 semaphore(%arg16 : memref<!tpu.dma_semaphore, #tpu.memory_space<semaphore_mem>>) src(%arg5 : memref<1000x128xf32, #tpu.memory_space<hbm>>) dst(%dma_wait3A_131 : memref<1000x128xf32, #tpu.memory_space<vmem_shared>>)
    } else {
    }
    %barrier3A = arith.constant 0 : index
    tpu.barrier barrier_id(%barrier3A)
    %dma_start3A = arith.constant 0 : i32
    %dma_start3A_82 = tpu.memref_slice %arg11[%dma_start3A] : memref<19200xi32, #tpu.memory_space<vmem>> -> memref<96xi32, #tpu.memory_space<vmem>>
    %dma_start3A_83 = arith.constant 0 : i32
    %dma_start3A_84 = arith.constant 0 : i32
    %dma_start3A_85 = tpu.memref_slice %arg9[%dma_start3A_83, %dma_start3A_84] : memref<3000x128xf32, #tpu.memory_space<vmem_shared>> -> memref<3000x128xf32, #tpu.memory_space<vmem_shared>>
    tpu.enqueue_indirect_dma source(%dma_start3A_85 : memref<3000x128xf32, #tpu.memory_space<vmem_shared>>) target(%arg12 : memref<96x128xf32, #tpu.memory_space<vmem>>) offsets(%dma_start3A_82 : memref<96xi32, #tpu.memory_space<vmem>>) semaphore(%arg16 : memref<!tpu.dma_semaphore, #tpu.memory_space<semaphore_mem>>)
    %dma_start3A_86 = arith.constant 96 : i32
    %dma_start3A_87 = tpu.memref_slice %arg11[%dma_start3A_86] : memref<19200xi32, #tpu.memory_space<vmem>> -> memref<96xi32, #tpu.memory_space<vmem>>
    %dma_start3A_88 = arith.constant 0 : i32
    %dma_start3A_89 = arith.constant 0 : i32
    %dma_start3A_90 = tpu.memref_slice %arg9[%dma_start3A_88, %dma_start3A_89] : memref<3000x128xf32, #tpu.memory_space<vmem_shared>> -> memref<3000x128xf32, #tpu.memory_space<vmem_shared>>
    tpu.enqueue_indirect_dma source(%dma_start3A_90 : memref<3000x128xf32, #tpu.memory_space<vmem_shared>>) target(%arg13 : memref<96x128xf32, #tpu.memory_space<vmem>>) offsets(%dma_start3A_87 : memref<96xi32, #tpu.memory_space<vmem>>) semaphore(%arg17 : memref<!tpu.dma_semaphore, #tpu.memory_space<semaphore_mem>>)
    %dma_start3A_91 = arith.constant 192 : i32
    %dma_start3A_92 = tpu.memref_slice %arg11[%dma_start3A_91] : memref<19200xi32, #tpu.memory_space<vmem>> -> memref<96xi32, #tpu.memory_space<vmem>>
    %dma_start3A_93 = arith.constant 0 : i32
    %dma_start3A_94 = arith.constant 0 : i32
    %dma_start3A_95 = tpu.memref_slice %arg9[%dma_start3A_93, %dma_start3A_94] : memref<3000x128xf32, #tpu.memory_space<vmem_shared>> -> memref<3000x128xf32, #tpu.memory_space<vmem_shared>>
    tpu.enqueue_indirect_dma source(%dma_start3A_95 : memref<3000x128xf32, #tpu.memory_space<vmem_shared>>) target(%arg14 : memref<96x128xf32, #tpu.memory_space<vmem>>) offsets(%dma_start3A_92 : memref<96xi32, #tpu.memory_space<vmem>>) semaphore(%arg18 : memref<!tpu.dma_semaphore, #tpu.memory_space<semaphore_mem>>)
    %dma_start3A_96 = arith.constant 288 : i32
    %dma_start3A_97 = tpu.memref_slice %arg11[%dma_start3A_96] : memref<19200xi32, #tpu.memory_space<vmem>> -> memref<96xi32, #tpu.memory_space<vmem>>
    %dma_start3A_98 = arith.constant 0 : i32
    %dma_start3A_99 = arith.constant 0 : i32
    %dma_start3A_100 = tpu.memref_slice %arg9[%dma_start3A_98, %dma_start3A_99] : memref<3000x128xf32, #tpu.memory_space<vmem_shared>> -> memref<3000x128xf32, #tpu.memory_space<vmem_shared>>
    tpu.enqueue_indirect_dma source(%dma_start3A_100 : memref<3000x128xf32, #tpu.memory_space<vmem_shared>>) target(%arg15 : memref<96x128xf32, #tpu.memory_space<vmem>>) offsets(%dma_start3A_97 : memref<96xi32, #tpu.memory_space<vmem>>) semaphore(%arg19 : memref<!tpu.dma_semaphore, #tpu.memory_space<semaphore_mem>>)
    %scan3A_101 = arith.constant 0 : i32
    %scan3A_102 = arith.constant 50 : i32
    %scan3A_103 = arith.addi %scan3A_101, %scan3A_102 : i32
    %scan3A_104 = arith.constant 1 : i32
    scf.for %scan3A_129 = %scan3A_101 to %scan3A_103 step %scan3A_104  : i32 {
      %mul3A_130 = arith.constant 4 : i32
      %mul3A_131 = arith.muli %scan3A_129, %mul3A_130 : i32
      %add3A_132 = arith.constant 0 : i32
      %add3A_133 = arith.addi %add3A_132, %mul3A_131 : i32
      %dma_wait3A_134 = arith.constant 0 : i32
      %dma_wait3A_135 = tpu.memref_slice %arg11[%dma_wait3A_134] : memref<19200xi32, #tpu.memory_space<vmem>> -> memref<96xi32, #tpu.memory_space<vmem>>
      %dma_wait3A_136 = arith.constant 0 : i32
      %dma_wait3A_137 = arith.constant 0 : i32
      %dma_wait3A_138 = tpu.memref_slice %arg9[%dma_wait3A_136, %dma_wait3A_137] : memref<3000x128xf32, #tpu.memory_space<vmem_shared>> -> memref<3000x128xf32, #tpu.memory_space<vmem_shared>>
      tpu.wait_indirect_dma semaphore(%arg16 : memref<!tpu.dma_semaphore, #tpu.memory_space<semaphore_mem>>) src(%dma_wait3A_138 : memref<3000x128xf32, #tpu.memory_space<vmem_shared>>) dst(%arg12 : memref<96x128xf32, #tpu.memory_space<vmem>>)
      %add3A_139 = arith.constant 0 : i32
      %add3A_140 = arith.addi %add3A_133, %add3A_139 : i32
      %jit3A_141 = arith.constant 4 : i32
      %div3A_142 = arith.divsi %add3A_140, %jit3A_141 : i32
      %sign3A_143 = arith.constant 0 : i32
      %sign3A_144 = arith.cmpi sgt, %add3A_140, %sign3A_143 : i32
      %sign3A_145 = arith.extui %sign3A_144 : i1 to i32
      %sign3A_146 = arith.constant 0 : i32
      %sign3A_147 = arith.cmpi slt, %add3A_140, %sign3A_146 : i32
      %sign3A_148 = arith.extui %sign3A_147 : i1 to i32
      %sign3A_149 = arith.subi %sign3A_145, %sign3A_148 : i32
      %sign3A_150 = arith.constant 0 : i32
      %sign3A_151 = arith.cmpi sgt, %jit3A_141, %sign3A_150 : i32
      %sign3A_152 = arith.extui %sign3A_151 : i1 to i32
      %sign3A_153 = arith.constant 0 : i32
      %sign3A_154 = arith.cmpi slt, %jit3A_141, %sign3A_153 : i32
      %sign3A_155 = arith.extui %sign3A_154 : i1 to i32
      %sign3A_156 = arith.subi %sign3A_152, %sign3A_155 : i32
      %ne3A_157 = arith.cmpi ne, %sign3A_149, %sign3A_156 : i32
      %rem3A_158 = arith.remsi %add3A_140, %jit3A_141 : i32
      %ne3A_159 = arith.constant 0 : i32
      %ne3A_160 = arith.cmpi ne, %rem3A_158, %ne3A_159 : i32
      %and3A_161 = arith.andi %ne3A_157, %ne3A_160 : i1
      %sub3A_162 = arith.constant 1 : i32
      %sub3A_163 = arith.subi %div3A_142, %sub3A_162 : i32
      %select_n3A_164 = arith.select %and3A_161, %sub3A_163, %div3A_142 : i32
      %mul3A_165 = arith.constant 512 : i32
      %mul3A_166 = arith.muli %select_n3A_164, %mul3A_165 : i32
      %mul3A_167 = arith.constant 24 : i32
      %mul3A_168 = arith.muli %mul3A_166, %mul3A_167 : i32
      %mul3A_169 = arith.constant 384 : i32
      %mul3A_170 = arith.muli %add3A, %mul3A_169 : i32
      %add3A_171 = arith.addi %mul3A_168, %mul3A_170 : i32
      %jit3A_172 = arith.constant 4 : i32
      %eq3A_173 = arith.constant 0 : i32
      %eq3A_174 = arith.cmpi eq, %jit3A_172, %eq3A_173 : i32
      %jit3A_175 = arith.constant 1 : i32
      %select_n3A_176 = arith.select %eq3A_174, %jit3A_175, %jit3A_172 : i32
      %rem3A_177 = arith.remsi %add3A_140, %select_n3A_176 : i32
      %ne3A_178 = arith.constant 0 : i32
      %ne3A_179 = arith.cmpi ne, %rem3A_177, %ne3A_178 : i32
      %lt3A_180 = arith.constant 0 : i32
      %lt3A_181 = arith.cmpi slt, %rem3A_177, %lt3A_180 : i32
      %lt3A_182 = arith.constant 0 : i32
      %lt3A_183 = arith.cmpi slt, %select_n3A_176, %lt3A_182 : i32
      %ne3A_184 = arith.xori %lt3A_181, %lt3A_183 : i1
      %and3A_185 = arith.andi %ne3A_184, %ne3A_179 : i1
      %add3A_186 = arith.addi %rem3A_177, %select_n3A_176 : i32
      %select_n3A_187 = arith.select %and3A_185, %add3A_186, %rem3A_177 : i32
      %mul3A_188 = arith.constant 96 : i32
      %mul3A_189 = arith.muli %select_n3A_187, %mul3A_188 : i32
      %add3A_190 = arith.addi %add3A_171, %mul3A_189 : i32
      %dma_start3A_191 = arith.constant 0 : i32
      %dma_start3A_192 = tpu.memref_slice %arg8[%add3A_190, %dma_start3A_191] : memref<614400x128xf32, #tpu.memory_space<hbm>> -> memref<96x128xf32, #tpu.memory_space<hbm>>
      %dma_start3A_193 = arith.constant 0 : i32
      %dma_start3A_194 = tpu.memref_slice %arg8[%add3A_190, %dma_start3A_193] : memref<614400x128xf32, #tpu.memory_space<hbm>> -> memref<96x128xf32, #tpu.memory_space<hbm>>
      tpu.enqueue_dma source(%arg12 : memref<96x128xf32, #tpu.memory_space<vmem>>) target(%dma_start3A_194 : memref<96x128xf32, #tpu.memory_space<hbm>>) target_semaphore(%arg20 : memref<!tpu.dma_semaphore, #tpu.memory_space<semaphore_mem>>)
      %dma_wait3A_195 = arith.constant 0 : i32
      %dma_wait3A_196 = tpu.memref_slice %arg11[%dma_wait3A_195] : memref<19200xi32, #tpu.memory_space<vmem>> -> memref<96xi32, #tpu.memory_space<vmem>>
      %dma_wait3A_197 = arith.constant 0 : i32
      %dma_wait3A_198 = arith.constant 0 : i32
      %dma_wait3A_199 = tpu.memref_slice %arg9[%dma_wait3A_197, %dma_wait3A_198] : memref<3000x128xf32, #tpu.memory_space<vmem_shared>> -> memref<3000x128xf32, #tpu.memory_space<vmem_shared>>
      tpu.wait_indirect_dma semaphore(%arg17 : memref<!tpu.dma_semaphore, #tpu.memory_space<semaphore_mem>>) src(%dma_wait3A_199 : memref<3000x128xf32, #tpu.memory_space<vmem_shared>>) dst(%arg13 : memref<96x128xf32, #tpu.memory_space<vmem>>)
      %add3A_200 = arith.constant 1 : i32
      %add3A_201 = arith.addi %add3A_133, %add3A_200 : i32
      %jit3A_202 = arith.constant 4 : i32
      %div3A_203 = arith.divsi %add3A_201, %jit3A_202 : i32
      %sign3A_204 = arith.constant 0 : i32
      %sign3A_205 = arith.cmpi sgt, %add3A_201, %sign3A_204 : i32
      %sign3A_206 = arith.extui %sign3A_205 : i1 to i32
      %sign3A_207 = arith.constant 0 : i32
      %sign3A_208 = arith.cmpi slt, %add3A_201, %sign3A_207 : i32
      %sign3A_209 = arith.extui %sign3A_208 : i1 to i32
      %sign3A_210 = arith.subi %sign3A_206, %sign3A_209 : i32
      %sign3A_211 = arith.constant 0 : i32
      %sign3A_212 = arith.cmpi sgt, %jit3A_202, %sign3A_211 : i32
      %sign3A_213 = arith.extui %sign3A_212 : i1 to i32
      %sign3A_214 = arith.constant 0 : i32
      %sign3A_215 = arith.cmpi slt, %jit3A_202, %sign3A_214 : i32
      %sign3A_216 = arith.extui %sign3A_215 : i1 to i32
      %sign3A_217 = arith.subi %sign3A_213, %sign3A_216 : i32
      %ne3A_218 = arith.cmpi ne, %sign3A_210, %sign3A_217 : i32
      %rem3A_219 = arith.remsi %add3A_201, %jit3A_202 : i32
      %ne3A_220 = arith.constant 0 : i32
      %ne3A_221 = arith.cmpi ne, %rem3A_219, %ne3A_220 : i32
      %and3A_222 = arith.andi %ne3A_218, %ne3A_221 : i1
      %sub3A_223 = arith.constant 1 : i32
      %sub3A_224 = arith.subi %div3A_203, %sub3A_223 : i32
      %select_n3A_225 = arith.select %and3A_222, %sub3A_224, %div3A_203 : i32
      %mul3A_226 = arith.constant 512 : i32
      %mul3A_227 = arith.muli %select_n3A_225, %mul3A_226 : i32
      %mul3A_228 = arith.constant 24 : i32
      %mul3A_229 = arith.muli %mul3A_227, %mul3A_228 : i32
      %mul3A_230 = arith.constant 384 : i32
      %mul3A_231 = arith.muli %add3A, %mul3A_230 : i32
      %add3A_232 = arith.addi %mul3A_229, %mul3A_231 : i32
      %jit3A_233 = arith.constant 4 : i32
      %eq3A_234 = arith.constant 0 : i32
      %eq3A_235 = arith.cmpi eq, %jit3A_233, %eq3A_234 : i32
      %jit3A_236 = arith.constant 1 : i32
      %select_n3A_237 = arith.select %eq3A_235, %jit3A_236, %jit3A_233 : i32
      %rem3A_238 = arith.remsi %add3A_201, %select_n3A_237 : i32
      %ne3A_239 = arith.constant 0 : i32
      %ne3A_240 = arith.cmpi ne, %rem3A_238, %ne3A_239 : i32
      %lt3A_241 = arith.constant 0 : i32
      %lt3A_242 = arith.cmpi slt, %rem3A_238, %lt3A_241 : i32
      %lt3A_243 = arith.constant 0 : i32
      %lt3A_244 = arith.cmpi slt, %select_n3A_237, %lt3A_243 : i32
      %ne3A_245 = arith.xori %lt3A_242, %lt3A_244 : i1
      %and3A_246 = arith.andi %ne3A_245, %ne3A_240 : i1
      %add3A_247 = arith.addi %rem3A_238, %select_n3A_237 : i32
      %select_n3A_248 = arith.select %and3A_246, %add3A_247, %rem3A_238 : i32
      %mul3A_249 = arith.constant 96 : i32
      %mul3A_250 = arith.muli %select_n3A_248, %mul3A_249 : i32
      %add3A_251 = arith.addi %add3A_232, %mul3A_250 : i32
      %dma_start3A_252 = arith.constant 0 : i32
      %dma_start3A_253 = tpu.memref_slice %arg8[%add3A_251, %dma_start3A_252] : memref<614400x128xf32, #tpu.memory_space<hbm>> -> memref<96x128xf32, #tpu.memory_space<hbm>>
      %dma_start3A_254 = arith.constant 0 : i32
      %dma_start3A_255 = tpu.memref_slice %arg8[%add3A_251, %dma_start3A_254] : memref<614400x128xf32, #tpu.memory_space<hbm>> -> memref<96x128xf32, #tpu.memory_space<hbm>>
      tpu.enqueue_dma source(%arg13 : memref<96x128xf32, #tpu.memory_space<vmem>>) target(%dma_start3A_255 : memref<96x128xf32, #tpu.memory_space<hbm>>) target_semaphore(%arg21 : memref<!tpu.dma_semaphore, #tpu.memory_space<semaphore_mem>>)
      %dma_wait3A_256 = arith.constant 0 : i32
      %dma_wait3A_257 = tpu.memref_slice %arg11[%dma_wait3A_256] : memref<19200xi32, #tpu.memory_space<vmem>> -> memref<96xi32, #tpu.memory_space<vmem>>
      %dma_wait3A_258 = arith.constant 0 : i32
      %dma_wait3A_259 = arith.constant 0 : i32
      %dma_wait3A_260 = tpu.memref_slice %arg9[%dma_wait3A_258, %dma_wait3A_259] : memref<3000x128xf32, #tpu.memory_space<vmem_shared>> -> memref<3000x128xf32, #tpu.memory_space<vmem_shared>>
      tpu.wait_indirect_dma semaphore(%arg18 : memref<!tpu.dma_semaphore, #tpu.memory_space<semaphore_mem>>) src(%dma_wait3A_260 : memref<3000x128xf32, #tpu.memory_space<vmem_shared>>) dst(%arg14 : memref<96x128xf32, #tpu.memory_space<vmem>>)
      %add3A_261 = arith.constant 2 : i32
      %add3A_262 = arith.addi %add3A_133, %add3A_261 : i32
      %jit3A_263 = arith.constant 4 : i32
      %div3A_264 = arith.divsi %add3A_262, %jit3A_263 : i32
      %sign3A_265 = arith.constant 0 : i32
      %sign3A_266 = arith.cmpi sgt, %add3A_262, %sign3A_265 : i32
      %sign3A_267 = arith.extui %sign3A_266 : i1 to i32
      %sign3A_268 = arith.constant 0 : i32
      %sign3A_269 = arith.cmpi slt, %add3A_262, %sign3A_268 : i32
      %sign3A_270 = arith.extui %sign3A_269 : i1 to i32
      %sign3A_271 = arith.subi %sign3A_267, %sign3A_270 : i32
      %sign3A_272 = arith.constant 0 : i32
      %sign3A_273 = arith.cmpi sgt, %jit3A_263, %sign3A_272 : i32
      %sign3A_274 = arith.extui %sign3A_273 : i1 to i32
      %sign3A_275 = arith.constant 0 : i32
      %sign3A_276 = arith.cmpi slt, %jit3A_263, %sign3A_275 : i32
      %sign3A_277 = arith.extui %sign3A_276 : i1 to i32
      %sign3A_278 = arith.subi %sign3A_274, %sign3A_277 : i32
      %ne3A_279 = arith.cmpi ne, %sign3A_271, %sign3A_278 : i32
      %rem3A_280 = arith.remsi %add3A_262, %jit3A_263 : i32
      %ne3A_281 = arith.constant 0 : i32
      %ne3A_282 = arith.cmpi ne, %rem3A_280, %ne3A_281 : i32
      %and3A_283 = arith.andi %ne3A_279, %ne3A_282 : i1
      %sub3A_284 = arith.constant 1 : i32
      %sub3A_285 = arith.subi %div3A_264, %sub3A_284 : i32
      %select_n3A_286 = arith.select %and3A_283, %sub3A_285, %div3A_264 : i32
      %mul3A_287 = arith.constant 512 : i32
      %mul3A_288 = arith.muli %select_n3A_286, %mul3A_287 : i32
      %mul3A_289 = arith.constant 24 : i32
      %mul3A_290 = arith.muli %mul3A_288, %mul3A_289 : i32
      %mul3A_291 = arith.constant 384 : i32
      %mul3A_292 = arith.muli %add3A, %mul3A_291 : i32
      %add3A_293 = arith.addi %mul3A_290, %mul3A_292 : i32
      %jit3A_294 = arith.constant 4 : i32
      %eq3A_295 = arith.constant 0 : i32
      %eq3A_296 = arith.cmpi eq, %jit3A_294, %eq3A_295 : i32
      %jit3A_297 = arith.constant 1 : i32
      %select_n3A_298 = arith.select %eq3A_296, %jit3A_297, %jit3A_294 : i32
      %rem3A_299 = arith.remsi %add3A_262, %select_n3A_298 : i32
      %ne3A_300 = arith.constant 0 : i32
      %ne3A_301 = arith.cmpi ne, %rem3A_299, %ne3A_300 : i32
      %lt3A_302 = arith.constant 0 : i32
      %lt3A_303 = arith.cmpi slt, %rem3A_299, %lt3A_302 : i32
      %lt3A_304 = arith.constant 0 : i32
      %lt3A_305 = arith.cmpi slt, %select_n3A_298, %lt3A_304 : i32
      %ne3A_306 = arith.xori %lt3A_303, %lt3A_305 : i1
      %and3A_307 = arith.andi %ne3A_306, %ne3A_301 : i1
      %add3A_308 = arith.addi %rem3A_299, %select_n3A_298 : i32
      %select_n3A_309 = arith.select %and3A_307, %add3A_308, %rem3A_299 : i32
      %mul3A_310 = arith.constant 96 : i32
      %mul3A_311 = arith.muli %select_n3A_309, %mul3A_310 : i32
      %add3A_312 = arith.addi %add3A_293, %mul3A_311 : i32
      %dma_start3A_313 = arith.constant 0 : i32
      %dma_start3A_314 = tpu.memref_slice %arg8[%add3A_312, %dma_start3A_313] : memref<614400x128xf32, #tpu.memory_space<hbm>> -> memref<96x128xf32, #tpu.memory_space<hbm>>
      %dma_start3A_315 = arith.constant 0 : i32
      %dma_start3A_316 = tpu.memref_slice %arg8[%add3A_312, %dma_start3A_315] : memref<614400x128xf32, #tpu.memory_space<hbm>> -> memref<96x128xf32, #tpu.memory_space<hbm>>
      tpu.enqueue_dma source(%arg14 : memref<96x128xf32, #tpu.memory_space<vmem>>) target(%dma_start3A_316 : memref<96x128xf32, #tpu.memory_space<hbm>>) target_semaphore(%arg22 : memref<!tpu.dma_semaphore, #tpu.memory_space<semaphore_mem>>)
      %dma_wait3A_317 = arith.constant 0 : i32
      %dma_wait3A_318 = tpu.memref_slice %arg11[%dma_wait3A_317] : memref<19200xi32, #tpu.memory_space<vmem>> -> memref<96xi32, #tpu.memory_space<vmem>>
      %dma_wait3A_319 = arith.constant 0 : i32
      %dma_wait3A_320 = arith.constant 0 : i32
      %dma_wait3A_321 = tpu.memref_slice %arg9[%dma_wait3A_319, %dma_wait3A_320] : memref<3000x128xf32, #tpu.memory_space<vmem_shared>> -> memref<3000x128xf32, #tpu.memory_space<vmem_shared>>
      tpu.wait_indirect_dma semaphore(%arg19 : memref<!tpu.dma_semaphore, #tpu.memory_space<semaphore_mem>>) src(%dma_wait3A_321 : memref<3000x128xf32, #tpu.memory_space<vmem_shared>>) dst(%arg15 : memref<96x128xf32, #tpu.memory_space<vmem>>)
      %add3A_322 = arith.constant 3 : i32
      %add3A_323 = arith.addi %add3A_133, %add3A_322 : i32
      %jit3A_324 = arith.constant 4 : i32
      %div3A_325 = arith.divsi %add3A_323, %jit3A_324 : i32
      %sign3A_326 = arith.constant 0 : i32
      %sign3A_327 = arith.cmpi sgt, %add3A_323, %sign3A_326 : i32
      %sign3A_328 = arith.extui %sign3A_327 : i1 to i32
      %sign3A_329 = arith.constant 0 : i32
      %sign3A_330 = arith.cmpi slt, %add3A_323, %sign3A_329 : i32
      %sign3A_331 = arith.extui %sign3A_330 : i1 to i32
      %sign3A_332 = arith.subi %sign3A_328, %sign3A_331 : i32
      %sign3A_333 = arith.constant 0 : i32
      %sign3A_334 = arith.cmpi sgt, %jit3A_324, %sign3A_333 : i32
      %sign3A_335 = arith.extui %sign3A_334 : i1 to i32
      %sign3A_336 = arith.constant 0 : i32
      %sign3A_337 = arith.cmpi slt, %jit3A_324, %sign3A_336 : i32
      %sign3A_338 = arith.extui %sign3A_337 : i1 to i32
      %sign3A_339 = arith.subi %sign3A_335, %sign3A_338 : i32
      %ne3A_340 = arith.cmpi ne, %sign3A_332, %sign3A_339 : i32
      %rem3A_341 = arith.remsi %add3A_323, %jit3A_324 : i32
      %ne3A_342 = arith.constant 0 : i32
      %ne3A_343 = arith.cmpi ne, %rem3A_341, %ne3A_342 : i32
      %and3A_344 = arith.andi %ne3A_340, %ne3A_343 : i1
      %sub3A_345 = arith.constant 1 : i32
      %sub3A_346 = arith.subi %div3A_325, %sub3A_345 : i32
      %select_n3A_347 = arith.select %and3A_344, %sub3A_346, %div3A_325 : i32
      %mul3A_348 = arith.constant 512 : i32
      %mul3A_349 = arith.muli %select_n3A_347, %mul3A_348 : i32
      %mul3A_350 = arith.constant 24 : i32
      %mul3A_351 = arith.muli %mul3A_349, %mul3A_350 : i32
      %mul3A_352 = arith.constant 384 : i32
      %mul3A_353 = arith.muli %add3A, %mul3A_352 : i32
      %add3A_354 = arith.addi %mul3A_351, %mul3A_353 : i32
      %jit3A_355 = arith.constant 4 : i32
      %eq3A_356 = arith.constant 0 : i32
      %eq3A_357 = arith.cmpi eq, %jit3A_355, %eq3A_356 : i32
      %jit3A_358 = arith.constant 1 : i32
      %select_n3A_359 = arith.select %eq3A_357, %jit3A_358, %jit3A_355 : i32
      %rem3A_360 = arith.remsi %add3A_323, %select_n3A_359 : i32
      %ne3A_361 = arith.constant 0 : i32
      %ne3A_362 = arith.cmpi ne, %rem3A_360, %ne3A_361 : i32
      %lt3A_363 = arith.constant 0 : i32
      %lt3A_364 = arith.cmpi slt, %rem3A_360, %lt3A_363 : i32
      %lt3A_365 = arith.constant 0 : i32
      %lt3A_366 = arith.cmpi slt, %select_n3A_359, %lt3A_365 : i32
      %ne3A_367 = arith.xori %lt3A_364, %lt3A_366 : i1
      %and3A_368 = arith.andi %ne3A_367, %ne3A_362 : i1
      %add3A_369 = arith.addi %rem3A_360, %select_n3A_359 : i32
      %select_n3A_370 = arith.select %and3A_368, %add3A_369, %rem3A_360 : i32
      %mul3A_371 = arith.constant 96 : i32
      %mul3A_372 = arith.muli %select_n3A_370, %mul3A_371 : i32
      %add3A_373 = arith.addi %add3A_354, %mul3A_372 : i32
      %dma_start3A_374 = arith.constant 0 : i32
      %dma_start3A_375 = tpu.memref_slice %arg8[%add3A_373, %dma_start3A_374] : memref<614400x128xf32, #tpu.memory_space<hbm>> -> memref<96x128xf32, #tpu.memory_space<hbm>>
      %dma_start3A_376 = arith.constant 0 : i32
      %dma_start3A_377 = tpu.memref_slice %arg8[%add3A_373, %dma_start3A_376] : memref<614400x128xf32, #tpu.memory_space<hbm>> -> memref<96x128xf32, #tpu.memory_space<hbm>>
      tpu.enqueue_dma source(%arg15 : memref<96x128xf32, #tpu.memory_space<vmem>>) target(%dma_start3A_377 : memref<96x128xf32, #tpu.memory_space<hbm>>) target_semaphore(%arg23 : memref<!tpu.dma_semaphore, #tpu.memory_space<semaphore_mem>>)
      %add3A_378 = arith.constant 4 : i32
      %add3A_379 = arith.addi %add3A_133, %add3A_378 : i32
      %add3A_380 = arith.constant 0 : i32
      %add3A_381 = arith.addi %add3A_379, %add3A_380 : i32
      %lt3A_382 = arith.constant 200 : i32
      %lt3A_383 = arith.cmpi slt, %add3A_381, %lt3A_382 : i32
      %convert_element_type3A_384 = arith.extui %lt3A_383 : i1 to i32
      %cond3A_385 = arith.constant 0 : i32
      %cond3A_386 = arith.cmpi ne, %convert_element_type3A_384, %cond3A_385 : i32
      scf.if %cond3A_386 {
        %dma_wait3A_414 = arith.constant 0 : i32
        %dma_wait3A_415 = arith.constant 0 : i32
        %dma_wait3A_416 = tpu.memref_slice %arg8[%dma_wait3A_414, %dma_wait3A_415] : memref<614400x128xf32, #tpu.memory_space<hbm>> -> memref<96x128xf32, #tpu.memory_space<hbm>>
        %dma_wait3A_417 = arith.constant 0 : i32
        %dma_wait3A_418 = arith.constant 0 : i32
        %dma_wait3A_419 = tpu.memref_slice %arg8[%dma_wait3A_417, %dma_wait3A_418] : memref<614400x128xf32, #tpu.memory_space<hbm>> -> memref<96x128xf32, #tpu.memory_space<hbm>>
        tpu.wait_dma2 semaphore(%arg20 : memref<!tpu.dma_semaphore, #tpu.memory_space<semaphore_mem>>) src(%arg12 : memref<96x128xf32, #tpu.memory_space<vmem>>) dst(%dma_wait3A_419 : memref<96x128xf32, #tpu.memory_space<hbm>>)
        %add3A_420 = arith.constant 4 : i32
        %add3A_421 = arith.addi %add3A_133, %add3A_420 : i32
        %add3A_422 = arith.constant 0 : i32
        %add3A_423 = arith.addi %add3A_421, %add3A_422 : i32
        %mul3A_424 = arith.constant 96 : i32
        %mul3A_425 = arith.muli %add3A_423, %mul3A_424 : i32
        %dma_start3A_426 = tpu.memref_slice %arg11[%mul3A_425] : memref<19200xi32, #tpu.memory_space<vmem>> -> memref<96xi32, #tpu.memory_space<vmem>>
        %dma_start3A_427 = arith.constant 0 : i32
        %dma_start3A_428 = arith.constant 0 : i32
        %dma_start3A_429 = tpu.memref_slice %arg9[%dma_start3A_427, %dma_start3A_428] : memref<3000x128xf32, #tpu.memory_space<vmem_shared>> -> memref<3000x128xf32, #tpu.memory_space<vmem_shared>>
        tpu.enqueue_indirect_dma source(%dma_start3A_429 : memref<3000x128xf32, #tpu.memory_space<vmem_shared>>) target(%arg12 : memref<96x128xf32, #tpu.memory_space<vmem>>) offsets(%dma_start3A_426 : memref<96xi32, #tpu.memory_space<vmem>>) semaphore(%arg16 : memref<!tpu.dma_semaphore, #tpu.memory_space<semaphore_mem>>)
      } else {
      }
      %add3A_387 = arith.constant 4 : i32
      %add3A_388 = arith.addi %add3A_133, %add3A_387 : i32
      %add3A_389 = arith.constant 1 : i32
      %add3A_390 = arith.addi %add3A_388, %add3A_389 : i32
      %lt3A_391 = arith.constant 200 : i32
      %lt3A_392 = arith.cmpi slt, %add3A_390, %lt3A_391 : i32
      %convert_element_type3A_393 = arith.extui %lt3A_392 : i1 to i32
      %cond3A_394 = arith.constant 0 : i32
      %cond3A_395 = arith.cmpi ne, %convert_element_type3A_393, %cond3A_394 : i32
      scf.if %cond3A_395 {
        %dma_wait3A_414 = arith.constant 0 : i32
        %dma_wait3A_415 = arith.constant 0 : i32
        %dma_wait3A_416 = tpu.memref_slice %arg8[%dma_wait3A_414, %dma_wait3A_415] : memref<614400x128xf32, #tpu.memory_space<hbm>> -> memref<96x128xf32, #tpu.memory_space<hbm>>
        %dma_wait3A_417 = arith.constant 0 : i32
        %dma_wait3A_418 = arith.constant 0 : i32
        %dma_wait3A_419 = tpu.memref_slice %arg8[%dma_wait3A_417, %dma_wait3A_418] : memref<614400x128xf32, #tpu.memory_space<hbm>> -> memref<96x128xf32, #tpu.memory_space<hbm>>
        tpu.wait_dma2 semaphore(%arg21 : memref<!tpu.dma_semaphore, #tpu.memory_space<semaphore_mem>>) src(%arg13 : memref<96x128xf32, #tpu.memory_space<vmem>>) dst(%dma_wait3A_419 : memref<96x128xf32, #tpu.memory_space<hbm>>)
        %add3A_420 = arith.constant 4 : i32
        %add3A_421 = arith.addi %add3A_133, %add3A_420 : i32
        %add3A_422 = arith.constant 1 : i32
        %add3A_423 = arith.addi %add3A_421, %add3A_422 : i32
        %mul3A_424 = arith.constant 96 : i32
        %mul3A_425 = arith.muli %add3A_423, %mul3A_424 : i32
        %dma_start3A_426 = tpu.memref_slice %arg11[%mul3A_425] : memref<19200xi32, #tpu.memory_space<vmem>> -> memref<96xi32, #tpu.memory_space<vmem>>
        %dma_start3A_427 = arith.constant 0 : i32
        %dma_start3A_428 = arith.constant 0 : i32
        %dma_start3A_429 = tpu.memref_slice %arg9[%dma_start3A_427, %dma_start3A_428] : memref<3000x128xf32, #tpu.memory_space<vmem_shared>> -> memref<3000x128xf32, #tpu.memory_space<vmem_shared>>
        tpu.enqueue_indirect_dma source(%dma_start3A_429 : memref<3000x128xf32, #tpu.memory_space<vmem_shared>>) target(%arg13 : memref<96x128xf32, #tpu.memory_space<vmem>>) offsets(%dma_start3A_426 : memref<96xi32, #tpu.memory_space<vmem>>) semaphore(%arg17 : memref<!tpu.dma_semaphore, #tpu.memory_space<semaphore_mem>>)
      } else {
      }
      %add3A_396 = arith.constant 4 : i32
      %add3A_397 = arith.addi %add3A_133, %add3A_396 : i32
      %add3A_398 = arith.constant 2 : i32
      %add3A_399 = arith.addi %add3A_397, %add3A_398 : i32
      %lt3A_400 = arith.constant 200 : i32
      %lt3A_401 = arith.cmpi slt, %add3A_399, %lt3A_400 : i32
      %convert_element_type3A_402 = arith.extui %lt3A_401 : i1 to i32
      %cond3A_403 = arith.constant 0 : i32
      %cond3A_404 = arith.cmpi ne, %convert_element_type3A_402, %cond3A_403 : i32
      scf.if %cond3A_404 {
        %dma_wait3A_414 = arith.constant 0 : i32
        %dma_wait3A_415 = arith.constant 0 : i32
        %dma_wait3A_416 = tpu.memref_slice %arg8[%dma_wait3A_414, %dma_wait3A_415] : memref<614400x128xf32, #tpu.memory_space<hbm>> -> memref<96x128xf32, #tpu.memory_space<hbm>>
        %dma_wait3A_417 = arith.constant 0 : i32
        %dma_wait3A_418 = arith.constant 0 : i32
        %dma_wait3A_419 = tpu.memref_slice %arg8[%dma_wait3A_417, %dma_wait3A_418] : memref<614400x128xf32, #tpu.memory_space<hbm>> -> memref<96x128xf32, #tpu.memory_space<hbm>>
        tpu.wait_dma2 semaphore(%arg22 : memref<!tpu.dma_semaphore, #tpu.memory_space<semaphore_mem>>) src(%arg14 : memref<96x128xf32, #tpu.memory_space<vmem>>) dst(%dma_wait3A_419 : memref<96x128xf32, #tpu.memory_space<hbm>>)
        %add3A_420 = arith.constant 4 : i32
        %add3A_421 = arith.addi %add3A_133, %add3A_420 : i32
        %add3A_422 = arith.constant 2 : i32
        %add3A_423 = arith.addi %add3A_421, %add3A_422 : i32
        %mul3A_424 = arith.constant 96 : i32
        %mul3A_425 = arith.muli %add3A_423, %mul3A_424 : i32
        %dma_start3A_426 = tpu.memref_slice %arg11[%mul3A_425] : memref<19200xi32, #tpu.memory_space<vmem>> -> memref<96xi32, #tpu.memory_space<vmem>>
        %dma_start3A_427 = arith.constant 0 : i32
        %dma_start3A_428 = arith.constant 0 : i32
        %dma_start3A_429 = tpu.memref_slice %arg9[%dma_start3A_427, %dma_start3A_428] : memref<3000x128xf32, #tpu.memory_space<vmem_shared>> -> memref<3000x128xf32, #tpu.memory_space<vmem_shared>>
        tpu.enqueue_indirect_dma source(%dma_start3A_429 : memref<3000x128xf32, #tpu.memory_space<vmem_shared>>) target(%arg14 : memref<96x128xf32, #tpu.memory_space<vmem>>) offsets(%dma_start3A_426 : memref<96xi32, #tpu.memory_space<vmem>>) semaphore(%arg18 : memref<!tpu.dma_semaphore, #tpu.memory_space<semaphore_mem>>)
      } else {
      }
      %add3A_405 = arith.constant 4 : i32
      %add3A_406 = arith.addi %add3A_133, %add3A_405 : i32
      %add3A_407 = arith.constant 3 : i32
      %add3A_408 = arith.addi %add3A_406, %add3A_407 : i32
      %lt3A_409 = arith.constant 200 : i32
      %lt3A_410 = arith.cmpi slt, %add3A_408, %lt3A_409 : i32
      %convert_element_type3A_411 = arith.extui %lt3A_410 : i1 to i32
      %cond3A_412 = arith.constant 0 : i32
      %cond3A_413 = arith.cmpi ne, %convert_element_type3A_411, %cond3A_412 : i32
      scf.if %cond3A_413 {
        %dma_wait3A_414 = arith.constant 0 : i32
        %dma_wait3A_415 = arith.constant 0 : i32
        %dma_wait3A_416 = tpu.memref_slice %arg8[%dma_wait3A_414, %dma_wait3A_415] : memref<614400x128xf32, #tpu.memory_space<hbm>> -> memref<96x128xf32, #tpu.memory_space<hbm>>
        %dma_wait3A_417 = arith.constant 0 : i32
        %dma_wait3A_418 = arith.constant 0 : i32
        %dma_wait3A_419 = tpu.memref_slice %arg8[%dma_wait3A_417, %dma_wait3A_418] : memref<614400x128xf32, #tpu.memory_space<hbm>> -> memref<96x128xf32, #tpu.memory_space<hbm>>
        tpu.wait_dma2 semaphore(%arg23 : memref<!tpu.dma_semaphore, #tpu.memory_space<semaphore_mem>>) src(%arg15 : memref<96x128xf32, #tpu.memory_space<vmem>>) dst(%dma_wait3A_419 : memref<96x128xf32, #tpu.memory_space<hbm>>)
        %add3A_420 = arith.constant 4 : i32
        %add3A_421 = arith.addi %add3A_133, %add3A_420 : i32
        %add3A_422 = arith.constant 3 : i32
        %add3A_423 = arith.addi %add3A_421, %add3A_422 : i32
        %mul3A_424 = arith.constant 96 : i32
        %mul3A_425 = arith.muli %add3A_423, %mul3A_424 : i32
        %dma_start3A_426 = tpu.memref_slice %arg11[%mul3A_425] : memref<19200xi32, #tpu.memory_space<vmem>> -> memref<96xi32, #tpu.memory_space<vmem>>
        %dma_start3A_427 = arith.constant 0 : i32
        %dma_start3A_428 = arith.constant 0 : i32
        %dma_start3A_429 = tpu.memref_slice %arg9[%dma_start3A_427, %dma_start3A_428] : memref<3000x128xf32, #tpu.memory_space<vmem_shared>> -> memref<3000x128xf32, #tpu.memory_space<vmem_shared>>
        tpu.enqueue_indirect_dma source(%dma_start3A_429 : memref<3000x128xf32, #tpu.memory_space<vmem_shared>>) target(%arg15 : memref<96x128xf32, #tpu.memory_space<vmem>>) offsets(%dma_start3A_426 : memref<96xi32, #tpu.memory_space<vmem>>) semaphore(%arg19 : memref<!tpu.dma_semaphore, #tpu.memory_space<semaphore_mem>>)
      } else {
      }
    }
    %scan3A_105 = arith.constant 50 : i32
    %dma_wait3A = arith.constant 0 : i32
    %dma_wait3A_106 = arith.constant 0 : i32
    %dma_wait3A_107 = tpu.memref_slice %arg8[%dma_wait3A, %dma_wait3A_106] : memref<614400x128xf32, #tpu.memory_space<hbm>> -> memref<96x128xf32, #tpu.memory_space<hbm>>
    %dma_wait3A_108 = arith.constant 0 : i32
    %dma_wait3A_109 = arith.constant 0 : i32
    %dma_wait3A_110 = tpu.memref_slice %arg8[%dma_wait3A_108, %dma_wait3A_109] : memref<614400x128xf32, #tpu.memory_space<hbm>> -> memref<96x128xf32, #tpu.memory_space<hbm>>
    tpu.wait_dma2 semaphore(%arg20 : memref<!tpu.dma_semaphore, #tpu.memory_space<semaphore_mem>>) src(%arg12 : memref<96x128xf32, #tpu.memory_space<vmem>>) dst(%dma_wait3A_110 : memref<96x128xf32, #tpu.memory_space<hbm>>)
    %dma_wait3A_111 = arith.constant 0 : i32
    %dma_wait3A_112 = arith.constant 0 : i32
    %dma_wait3A_113 = tpu.memref_slice %arg8[%dma_wait3A_111, %dma_wait3A_112] : memref<614400x128xf32, #tpu.memory_space<hbm>> -> memref<96x128xf32, #tpu.memory_space<hbm>>
    %dma_wait3A_114 = arith.constant 0 : i32
    %dma_wait3A_115 = arith.constant 0 : i32
    %dma_wait3A_116 = tpu.memref_slice %arg8[%dma_wait3A_114, %dma_wait3A_115] : memref<614400x128xf32, #tpu.memory_space<hbm>> -> memref<96x128xf32, #tpu.memory_space<hbm>>
    tpu.wait_dma2 semaphore(%arg21 : memref<!tpu.dma_semaphore, #tpu.memory_space<semaphore_mem>>) src(%arg13 : memref<96x128xf32, #tpu.memory_space<vmem>>) dst(%dma_wait3A_116 : memref<96x128xf32, #tpu.memory_space<hbm>>)
    %dma_wait3A_117 = arith.constant 0 : i32
    %dma_wait3A_118 = arith.constant 0 : i32
    %dma_wait3A_119 = tpu.memref_slice %arg8[%dma_wait3A_117, %dma_wait3A_118] : memref<614400x128xf32, #tpu.memory_space<hbm>> -> memref<96x128xf32, #tpu.memory_space<hbm>>
    %dma_wait3A_120 = arith.constant 0 : i32
    %dma_wait3A_121 = arith.constant 0 : i32
    %dma_wait3A_122 = tpu.memref_slice %arg8[%dma_wait3A_120, %dma_wait3A_121] : memref<614400x128xf32, #tpu.memory_space<hbm>> -> memref<96x128xf32, #tpu.memory_space<hbm>>
    tpu.wait_dma2 semaphore(%arg22 : memref<!tpu.dma_semaphore, #tpu.memory_space<semaphore_mem>>) src(%arg14 : memref<96x128xf32, #tpu.memory_space<vmem>>) dst(%dma_wait3A_122 : memref<96x128xf32, #tpu.memory_space<hbm>>)
    %dma_wait3A_123 = arith.constant 0 : i32
    %dma_wait3A_124 = arith.constant 0 : i32
    %dma_wait3A_125 = tpu.memref_slice %arg8[%dma_wait3A_123, %dma_wait3A_124] : memref<614400x128xf32, #tpu.memory_space<hbm>> -> memref<96x128xf32, #tpu.memory_space<hbm>>
    %dma_wait3A_126 = arith.constant 0 : i32
    %dma_wait3A_127 = arith.constant 0 : i32
    %dma_wait3A_128 = tpu.memref_slice %arg8[%dma_wait3A_126, %dma_wait3A_127] : memref<614400x128xf32, #tpu.memory_space<hbm>> -> memref<96x128xf32, #tpu.memory_space<hbm>>
    tpu.wait_dma2 semaphore(%arg23 : memref<!tpu.dma_semaphore, #tpu.memory_space<semaphore_mem>>) src(%arg15 : memref<96x128xf32, #tpu.memory_space<vmem>>) dst(%dma_wait3A_128 : memref<96x128xf32, #tpu.memory_space<hbm>>)
    return
  }
}

</mosaic_0001>

<sc_bundles>
// kernel: kernel.3.cloned.1.call-start
scs
__scs_entry_jumppad:
0x0: {  	(pc) =	sbr.rel $0x88, $3  }
0x1: {  	(tag) =	ssettag $0x0;
	lr =	simm.s32 $0x1  }
0x2: {  	[smem:$0x3F9B] =	sst lr;
	_ =	strace $0xD0000000  }
0x3: {  	_ = 	snop  }
0x4: {  	_ = 	snop  }
0x5: {  	_ = 	snop  }
0x6: {  	_ = 	snop  }
0x7: {  	_ = 	snop  }
__scs_overlays_trampoline_lowered:
0x8: {  	[smem:$0x3FAA] =	sst s0  }
0x9: {  	[smem:$0x3FAB] =	sst s1  }
0xa: {  	[smem:$0x3FAC] =	sst s2  }
0xb: {  	[smem:$0x3FAD] =	sst s3  }
0xc: {  	[smem:$0x3FAE] =	sst s4  }
0xd: {  	[smem:$0x3FAF] =	sst s5  }
0xe: {  	[smem:$0x3FB0] =	sst s6  }
0xf: {  	[smem:$0x3FB1] =	sst s7  }
0x10: {  	[smem:$0x3FB2] =	sst s8  }
0x11: {  	[smem:$0x3FB3] =	sst s9;
	s0 =	simm.s32 @!p0 $0x0  }
0x12: {  	s1 =	sld [smem:$0x3F99];
	s0 =	simm.s32 @p0 $0x1  }
0x13: {  	[smem:$0x3FB4] =	sst s0;
	s0 =	simm.s32 @!p1 $0x0  }
0x14: {  	s2 =	sld [smem:$0x3F98];
	s0 =	simm.s32 @p1 $0x1  }
0x15: {  	[smem:$0x3FB5] =	sst s0;
	s0 =	simm.s32 @!p2 $0x0  }
0x16: {  	s3 =	sld [smem:$0x3FDB];
	s0 =	simm.s32 @p2 $0x1  }
0x17: {  	s4 =	simm.s32 $0x1BF5;
	[smem:$0x3FB7] =	sst s0  }
0x18: {  	s0 =	sld [smem:$0x3F9A];
	_ =	swait.ge [sflag:s4], $0x0  }
0x19: {  	s7 =	sld [smem:$0x3F9B]  }
0x1a: {  	s8 =	sadd.s32 $0xFFFFE003, lr  }
0x1b: {  	s9 =	sadd.s32 $0xFFFFFEF7, lr;
	s5 =	simm.s32 $0xFFFFFFFF;
	p2 =	slt.u32 s8, $0xFFFFF086  }
0x1c: {  	p1 =	slt.u32 s9, $0xF7A;
	s5 =	simm.s32 @!p2 $0x0  }
0x1d: {  	s5 =	simm.s32 @p1 $0x1;
	p0 =	seq.s32 s7, s2  }
0x1e: {  	s7 =	smul.u32 @!p0 $0xF7A, s2;
	p2 =	seq.s32 @!p0 s5, $0x0  }
0x1f: {  	s9 =	smul.u32 $0xF7A, s1;
	s8 =	simm.s32 @!p0 $0x1BF5;
	p2 =	por !p2, p0  }
0x20: {  	[sflag:s8] =	ssyncset.s32 @!p0 $0xFFFFF086;
	s6 =	sadd.s32 @!p0 s3, s7;
	s7 =	simm.s32 @!p0 $0x108  }
0x21: {  	s3 =	sadd.s32 s3, s9;
	s6 =	sadd.s32 @!p0 $0x88, s6;
	s7 =	simm.s32 @p2 $0x1082  }
0x22: {  	[simem:s7], [sflag:s8] =	dma.local @!p0 [hbm:s6], $0xF7A  }
0x23: {  	s9 =	sor.u32 $0xD0000000, s2;
	s6 =	simm.s32 $0x108;
	_ =	swait.ge @!p0 [sflag:s8], $0x0  }
0x24: {  	s3 =	sadd.s32 $0x88, s3;
	s6 =	simm.s32 @!p1 $0x1082;
	[sflag:s4] =	ssyncset.s32 $0xFFFFF086  }
0x25: {  	[simem:s6], [sflag:s4] =	dma.local [hbm:s3], $0xF7A  }
0x26: {  	[smem:$0x3F9B] =	sst s1;
	(tag) =	ssettag s2;
	_ =	strace s9  }
0x27: {  	s1 =	sld [smem:$0x3FAB]  }
0x28: {  	s2 =	sld [smem:$0x3FAC]  }
0x29: {  	s4 =	sld [smem:$0x3FAE]  }
0x2a: {  	p0 =	seq.s32 s5, $0x0;
	s5 =	sld [smem:$0x3FAF]  }
0x2b: {  	s6 =	sld [smem:$0x3FB0]  }
0x2c: {  	s7 =	sld [smem:$0x3FB1]  }
0x2d: {  	s3 =	simm.s32 $0x108;
	s8 =	sld [smem:$0x3FB2]  }
0x2e: {  	s3 =	simm.s32 @!p0 $0x1082;
	s9 =	sld [smem:$0x3FB3]  }
0x2f: {  	lr =	sadd.s32 s0, s3;
	s0 =	sld [smem:$0x3FAA]  }
0x30: {  	s3 =	sld [smem:$0x3FAD]  }
0x31: {  	[smem:$0x3FB6] =	sst s10  }
0x32: {  	s10 =	sld [smem:$0x3FB4];
	_ =	sdelay $0x3  }
0x33: {  	p0 =	seq.s32 s10, $0x1;
	s10 =	sld [smem:$0x3FB6];
	_ =	sdelay $0x3  }
0x34: {  	[smem:$0x3FB6] =	sst s10  }
0x35: {  	s10 =	sld [smem:$0x3FB5];
	_ =	sdelay $0x3  }
0x36: {  	p1 =	seq.s32 s10, $0x1;
	s10 =	sld [smem:$0x3FB6];
	_ =	sdelay $0x3  }
0x37: {  	[smem:$0x3FB6] =	sst s10  }
0x38: {  	s10 =	sld [smem:$0x3FB7]  }
0x39: {  	_ = 	snop;
	(pc) =	sbr.ind lr, $3  }
0x3a: {  	_ = 	snop  }
0x3b: {  	_ = 	snop  }
0x3c: {  	p2 =	seq.s32 s10, $0x1;
	s10 =	sld [smem:$0x3FB6]  }
0x3d: {  	_ =	shalt  }
0x3e: {  	_ =	shalt  }
0x3f: {  	_ =	shalt  }
0x40: {  	_ =	shalt  }
0x41: {  	_ =	shalt  }
0x42: {  	_ =	shalt  }
0x43: {  	_ =	shalt  }
0x44: {  	_ =	shalt  }
0x45: {  	_ =	shalt  }
0x46: {  	_ =	shalt  }
0x47: {  	_ =	shalt  }
0x48: {  	_ =	shalt  }
0x49: {  	_ =	shalt  }
0x4a: {  	_ =	shalt  }
0x4b: {  	_ =	shalt  }
0x4c: {  	_ =	shalt  }
0x4d: {  	_ =	shalt  }
0x4e: {  	_ =	shalt  }
0x4f: {  	_ =	shalt  }
0x50: {  	_ =	shalt  }
0x51: {  	_ =	shalt  }
0x52: {  	_ =	shalt  }
0x53: {  	_ =	shalt  }
0x54: {  	_ =	shalt  }
0x55: {  	_ =	shalt  }
0x56: {  	_ =	shalt  }
0x57: {  	_ =	shalt  }
0x58: {  	_ =	shalt  }
0x59: {  	_ =	shalt  }
0x5a: {  	_ =	shalt  }
0x5b: {  	_ =	shalt  }
0x5c: {  	_ =	shalt  }
0x5d: {  	_ =	shalt  }
0x5e: {  	_ =	shalt  }
0x5f: {  	_ =	shalt  }
0x60: {  	_ =	shalt  }
0x61: {  	_ =	shalt  }
0x62: {  	_ =	shalt  }
0x63: {  	_ =	shalt  }
0x64: {  	_ =	shalt  }
0x65: {  	_ =	shalt  }
0x66: {  	_ =	shalt  }
0x67: {  	_ =	shalt  }
0x68: {  	_ =	shalt  }
0x69: {  	_ =	shalt  }
0x6a: {  	_ =	shalt  }
0x6b: {  	_ =	shalt  }
0x6c: {  	_ =	shalt  }
0x6d: {  	_ =	shalt  }
0x6e: {  	_ =	shalt  }
0x6f: {  	_ =	shalt  }
0x70: {  	_ =	shalt  }
0x71: {  	_ =	shalt  }
0x72: {  	_ =	shalt  }
0x73: {  	_ =	shalt  }
0x74: {  	_ =	shalt  }
0x75: {  	_ =	shalt  }
0x76: {  	_ =	shalt  }
0x77: {  	_ =	shalt  }
0x78: {  	_ =	shalt  }
0x79: {  	_ =	shalt  }
0x7a: {  	_ =	shalt  }
0x7b: {  	_ =	shalt  }
0x7c: {  	_ =	shalt  }
0x7d: {  	_ =	shalt  }
0x7e: {  	_ =	shalt  }
0x7f: {  	_ =	shalt  }
0x80: {  	_ =	shalt  }
0x81: {  	_ =	shalt  }
0x82: {  	_ =	shalt  }
0x83: {  	_ =	shalt  }
0x84: {  	_ =	shalt  }
0x85: {  	_ =	shalt  }
0x86: {  	_ =	shalt  }
0x87: {  	_ =	shalt  }
.Lfunc_end0:
.L_simem_size_0:
called_computation_lowered:
.L_overlay_start_0:
0x88: {  	s2 =	sld [smem:$0x3FD9]  }
0x89: {  	s3 =	sld [smem:$0x3FFE];
	_ =	sdelay $0x1  }
0x8a: {  	s1 =	srdreg.scid  }
0x8b: {  	s0 =	sand.u32 $0x1, s1  }
0x8c: {  	s17 =	sshll.u32 s0, $0xA;
	s2 =	sadd.s32 s3, s2  }
0x8d: {  	s2 =	sadd.s32 s2, s17  }
0x8e: {  	[smem:$0x3FC2] =	sst s2  }
0x8f: {  	_ = 	snop  }
0x90: {  	s2 =	sld [smem:$0x3FC6]  }
0x91: {  	s18 =	sld [smem:$0x3FC5]  }
0x92: {  	s4 =	sld [smem:$0x3FC4]  }
0x93: {  	s5 =	sld [smem:$0x3FD0];
	(tm) =	ssettm $0x1  }
0x94: {  	s6 =	sld [smem:$0x3FFB];
	_ =	sdelay $0x3  }
0x95: {  	_ =	strace s6  }
0x96: {  	s6 =	sld [smem:$0x3FFC];
	_ =	sdelay $0x3  }
0x97: {  	_ =	strace s6  }
0x98: {  	s6 =	sld [smem:$0x3FFD];
	_ =	sdelay $0x3  }
0x99: {  	_ =	strace s6  }
0x9a: {  	_ =	strace $0x8FFFFFFF  }
0x9b: {  	s19 =	sld [smem:$0x3FDB];
	_ =	sdelay $0x1  }
0x9c: {  	s7 =	simm.s32 $_scs_section_size  }
0x9d: {  	s8 =	simm.s32 $_size__tile_overlayer_lowered;
	s9 =	simm.s32 $_tile_overlayer_lowered  }
0x9e: {  	s22 =	simm.s32 $0x1BFF;
	s21 =	sshll.u32 s9, $0x1;
	s6 =	sadd.s32 s7, s19  }
0x9f: {  	s10 =	simm.s32 $0x0;
	s20 =	sshll.u32 s8, $0x1;
	s8 =	sadd.s32 s21, s6  }
0xa0: {  	[timem:s10], [sflag:s22] =	dma.local [hbm:s8], s20  }
0xa1: {  	_ =	swait.ge [sflag:s22], s20  }
0xa2: {  	s7 =	ssub.s32 $0x0, s20;
	[sflag:s22] =	ssyncset.done $0x0  }
0xa3: {  	[sflag:s22] =	ssyncadd.s32 s7;
	_ =	sdelay $0x1  }
0xa4: {  	s23 =	simm.s32 $0x1B8B  }
0xa5: {  	_ =	swait.ge [sflag:s23], $0x1  }
0xa6: {  	[sflag:s23] =	ssyncset.done $0x0  }
0xa7: {  	s25 =	simm.s32 $0x1B8E;
	s24 =	sld [smem:$0x3FFE];
	[sflag:s23] =	ssyncadd.s32 $0xFFFFFFFF  }
0xa8: {  	s26 =	simm.s32 $execute0_lowered;
	[smem:$0x3FD2] =	sst s25  }
0xa9: {  	s8 =	sshll.u32 s26, $0x1;
	_ =	strace $0x80000046;
	[dreg:$0x1] =	wrdreg $0xFFFFFFFF  }
0xaa: {  	s28 =	simm.s32 $_size_execute0_lowered;
	s6 =	sadd.s32 s6, s8;
	[dreg:$0x0] =	wrdreg $0x0  }
0xab: {  	s8 =	sshll.u32 s28, $0x1;
	[dreg:$0x2] =	wrdreg s6  }
0xac: {  	[dreg:$0x3] =	wrdreg s8  }
0xad: {  	[dreg:$0x4] =	wrdreg $0xC0  }
0xae: {  	_ =	task [dreg:s10], $0x5FFFF  }
0xaf: {  	[dreg:$0x1] =	wrdreg $0xFFFFFFFF  }
0xb0: {  	[dreg:$0x0] =	wrdreg $0x60  }
0xb1: {  	[dreg:$0x2] =	wrdreg s24  }
0xb2: {  	[dreg:$0x3] =	wrdreg s2  }
0xb3: {  	[dreg:$0x4] =	wrdreg s18  }
0xb4: {  	[dreg:$0x5] =	wrdreg s4  }
0xb5: {  	[dreg:$0x6] =	wrdreg s5  }
0xb6: {  	[dreg:$0x7] =	wrdreg $0x0  }
0xb7: {  	[dreg:$0x8] =	wrdreg $0x9  }
0xb8: {  	_ =	task.clear_ibuf [dreg:s10], $0x9FFFF;
	_ =	strace $0x90000046  }
0xb9: {  	s29 =	simm.s32 $0x9;
	_ =	strace $0x80000048  }
0xba: {  	_ =	swait.ge [sflag:s29], $0x1  }
0xbb: {  	[sflag:s29] =	ssyncadd.s32 $0xFFFFFFFF  }
0xbc: {  	_ =	strace $0x90000048  }
0xbd: {  	_ =	sfence  }
0xbe: {  	s30 =	sld [smem:$0x0];
	_ =	sdelay $0x2  }
0xbf: {  	s31 =	sshll.u32 s1, $0xD;
	s1 =	sshrl.u32 s1, $0x2  }
0xc0: {  	s3 =	sand.u32 $0x4000, s31;
	s1 =	sadd.s32 s1, s30  }
0xc1: {  	s0 =	sor.u32 s3, s0;
	s1 =	sshll.u32 s1, $0x11  }
0xc2: {  	s0 =	sor.u32 s1, s0  }
0xc3: {  	s0 =	sadd.s32 $0x8F2B, s0  }
0xc4: {  	[sflag:s0] =	ssyncadd.remote.s32 $0x1  }
0xc5: {  	_ =	sfence.sel $0xFFFF  }
0xc6: {  	[dreg:$0x0] =	wrdreg $0xFFFFFFFF;
	(pc) =	sbr.abs _section_cstart, $3  }
0xc7: {  	[dreg:$0x1] =	wrdreg $0xFFFFFFFF  }
0xc8: {  	_ =	task.clear_ibuf [dreg:s10], $0x2FFFF;
	_ =	strace $0x9FFFFFFF  }
0xc9: {  	(tm) =	ssettm $0x7FFFFFFF  }
tec
execute0_lowered:
.L_overlay_start_1:
0x0: {  	(tag) =	ssettag $0x1  }
0x1: {  	s0 =	rddreg [dreg:$0x0]  }
0x2: {  	s1 =	rddreg [dreg:$0x4]  }
0x3: {  	s4 =	rddreg [dreg:$0x5];
	s2 =	srdreg.scid;
	s6 =	simm.s32 $0x0  }
0x4: {  	s9 =	stileid.u32;
	s19 =	simm.s32 $0x5DC0;
	s20 =	simm.s32 $0x9  }
0x5: {  	v2 =	vimm.s32 $0x1B1A1918;
	s28 =	simm.s32 $0x148C0;
	s30 =	simm.s32 $0x178C0;
	s31 =	simm.s32 $0x1  }
0x6: {  	v0 =	vlaneseq.u32;
	v3 =	vimm.s32 $0x1F1E1D1C;
	v4 =	vimm.s32 $0x76543210;
	s29 =	simm.s32 $0x0;
	s2 =	sand.u32 $0x1, s2;
	[smem:$0x7FF] =	sst s6  }
0x7: {  	vm0 =	vcmask $0x300;
	vm15 =	vcmask $0x1F10;
	v5 =	vimm.s32 $0x7B7A7978;
	s8 =	sadd.s32 $0x1F400, s4;
	p0 =	seq.s32 s9, $0x2;
	s26 =	smul.u32 $0x1800, s9  }
0x8: {  	v1 =	vimm.s32 $0x0;
	v6 =	vimm.s32 $0x63626160;
	v7 =	vimm.s32 $0x67666564;
	p3 =	sgt.u32 s9, $0x2;
	s3 =	sshll.u32 s2, $0x4;
	_ =	strace $0x80000047  }
0x9: {  	v2 =	vunpack.c.0.s8.s32 v2;
	v3 =	vunpack.c.0.s8.s32 v3;
	v4 =	vunpack.c.l.s4.s8 v4;
	s7 =	ssub.s32 $0x2, s2;
	p1 =	seq.s32 @!p0 s9, $0x1;
	s25 =	smul.u32 $0x18000, s2  }
0xa: {  	v9 =	vimm.s32 $0x47464544;
	v10 =	vimm.s32 $0x3B3A3938;
	v5 =	vunpack.c.0.s8.s32 v5;
	s2 =	simm.s32 $0x5;
	s3 =	sor.u32 s9, s3;
	s21 =	sshrl.u32 s7, $0x1  }
0xb: {  	v2 =	vsel vm15, v3, v2;
	v3 =	vunpack.c.0.s8.s32 v4;
	v4 =	vimm.s32 $0x7F7E7D7C;
	p2 =	por p1, p0;
	s5 =	sshll.u32 s3, $0xB;
	s3 =	smul.u32 $0x1800, s3  }
0xc: {  	v6 =	vunpack.c.0.s8.s32 v6;
	v7 =	vunpack.c.0.s8.s32 v7;
	v8 =	vunpack.c.0.s8.s32 v4;
	p2 =	sne.s32 @!p2 s9, $0x0;
	s0 =	sadd.s32 s5, s0;
	s5 =	ssub.s32 s7, s21  }
0xd: {  	v0 =	vmul.u32 $0x80, v0;
	v1 =	vsel vm0, $0x7, v1;
	v9 =	vunpack.c.0.s8.s32 v9;
	s7 =	sadd.s32 $0x3E800, s4;
	p2 =	por @!p0 p2, p1;
	p1 =	por !p1, p0  }
0xe: {  	v6 =	vsel vm15, v7, v6;
	v7 =	vimm.s32 $0x5B5A5958;
	s21 =	simm.s32 $0x9DC0;
	s10 =	sadd.s32 $0x800, s0;
	s22 =	sadd.s32 $0x10800, s0;
	v5 =	vsel vm15, v8, v5  }
0xf: {  	v4 =	vor.u32 $0x1000, v0;
	s3 =	sadd.s32 s1, s3;
	s0 =	sadd.s32 $0x20800, s0;
	s24 =	smax.u32 s5, $0x1;
	v8 =	vimm.s32 $0x43424140;
	v5 =	vcombine.low v6, v5  }
0x10: {  	p2 =	por p2, p0;
	s16 =	sshrl.u32 @p0 s7, $0x3;
	[dreg:$0x7] =	wrdreg s10;
	v6 =	vunpack.c.0.s8.s32 v7;
	v7 =	vimm.s32 $0x5F5E5D5C;
	v8 =	vunpack.c.0.s8.s32 v8  }
0x11: {  	v2 =	vcombine.low v3, v2;
	v3 =	vor.u32 $0x800, v0;
	s17 =	sshrl.u32 @!p1 s8, $0x3;
	[dreg:$0x8] =	wrdreg s22;
	s23 =	sadd.s32 $0x930000, s3;
	v7 =	vunpack.c.0.s8.s32 v7  }
0x12: {  	v10 =	vunpack.c.0.s8.s32 v10;
	[dreg:$0x9] =	wrdreg s0;
	s12 =	sadd.s32 $0x930600, s3;
	s13 =	sadd.s32 $0x930C00, s3;
	v8 =	vsel vm15, v9, v8;
	v9 =	vimm.s32 $0x27262524  }
0x13: {  	s5 =	simm.s32 $0x3;
	[dreg:$0xb] =	wrdreg s24;
	s14 =	sadd.s32 $0x931200, s3;
	v11 =	vsel vm15, v7, v6;
	v6 =	vimm.s32 $0x3F3E3D3C;
	v7 =	vimm.s32 $0x23222120  }
0x14: {  	s0 =	sadd.s32 s25, s1;
	s18 =	sshrl.u32 @!p2 s4, $0x3;
	s22 =	simm.s32 $0x60;
	v14 =	vunpack.c.0.s8.s32 v9;
	v12 =	vunpack.c.0.s8.s32 v6;
	v13 =	vunpack.c.0.s8.s32 v7  }
0x15: {  	s25 =	simm.s32 $0x118C0;
	s1 =	simm.s32 $0x4;
	s3 =	simm.s32 $0x6;
	v9 =	vor.u32 $0x2800, v0;
	v6 =	vor.u32 $0x1800, v0;
	v7 =	vor.u32 $0x2000, v0  }
0x16: {  	s24 =	simm.s32 $0x7;
	[dreg:$0xa] =	wrdreg s23;
	s15 =	sadd.s32 s26, s0;
	v8 =	vcombine.low v8, v11;
	v11 =	vsel vm15, v12, v10;
	v12 =	vsel vm15, v14, v13  }
0x17: {  	s23 =	simm.s32 $0xE8C0;
	s0 =	simm.s32 $0x2;
	s26 =	simm.s32 $0x8;
	v10 =	vor.u32 $0x3000, v0;
	v11 =	vcombine.low v12, v11;
	v12 =	vor.u32 $0x3800, v0  }
.LBB2_1:
0x18: {  	s7 =	simm.s32 @p0 $0x1C81;
	s8 =	rddreg [dreg:$0x3]  }
0x19: {  	[spmem:s16], [sflag:s7] =	dma.local @p0 [hbm:s8], $0x3E80  }
0x1a: {  	v13 =	vmov s6;
	s7 =	simm.s32 @!p1 $0x1C41;
	s8 =	rddreg [dreg:$0x2]  }
0x1b: {  	v13 =	vand.u32 $0x7F, v13;
	[spmem:s17], [sflag:s7] =	dma.local @!p1 [hbm:s8], $0x3E80  }
0x1c: {  	s10 =	simm.s32 $0x0;
	v14 =	vbroadcast v13, $0x0;
	s7 =	simm.s32 @!p2 $0x1C01;
	s9 =	rddreg [dreg:$0x1]  }
0x1d: {  	[spmem:s18], [sflag:s7] =	dma.local @!p2 [hbm:s9], $0x3E80  }
0x1e: {  	v15 =	vmov s10;
	v13 =	vor.u32 v0, v14;
	s7 =	rddreg [dreg:$0x7]  }
0x1f: {  	v15 =	vshrl.u32 v15, $0x7;
	[tilespmem:s19], [sflag:$0x9] =	stream.linear.gather [hbm4b:s7+s6], $0x4000, $0x38;
	[tilespmem:$0x1A8C0] =	vst v63  }
0x20: {  	v15 =	vshll.u32 v15, v1;
	_ =	swait.ge [sflag:s20], $0x4000  }
0x21: {  	v15 =	vbroadcast v15, $0x0;
	[sflag:s20] =	ssyncset.done $0x0  }
0x22: {  	[sflag:s20] =	ssyncadd.s32 $0xFFFFC000  }
0x23: {  	v16 =	vor.u32 v2, v15;
	v13 =	vld.idx.msk [tilespmem:v13+s19+$0x0], $0xffff  }
0x24: {  	v17 =	vor.u32 v3, v14;
	_ =	sdelay $0x3  }
0x25: {  	s11 =	simm.s32 $0x30;
	[tilespmem:v16+s21+$0x0] =	vst.idx.msk $0xffff, v13  }
0x26: {  	v16 =	vadd.s32 s11, v2;
	v13 =	vld.idx.msk [tilespmem:v17+s19+$0x0], $0xffff  }
0x27: {  	v17 =	vor.u32 v4, v14;
	_ =	sdelay $0x3  }
0x28: {  	[tilespmem:v16+s21+$0x0] =	vst.idx.msk $0xffff, v13  }
0x29: {  	v15 =	vor.u32 v5, v15;
	v13 =	vld.idx.msk [tilespmem:v17+s19+$0x0], $0xffff  }
0x2a: {  	v16 =	vor.u32 v6, v14;
	_ =	sdelay $0x3  }
0x2b: {  	s8 =	simm.s32 $0x90;
	[tilespmem:v15+s21+$0x0] =	vst.idx.msk $0xffff, v13  }
0x2c: {  	s9 =	simm.s32 $0xC0;
	v15 =	vadd.s32 s8, v2;
	v13 =	vld.idx.msk [tilespmem:v16+s19+$0x0], $0xffff  }
0x2d: {  	v17 =	vmov s9;
	v16 =	vor.u32 v7, v14  }
0x2e: {  	v17 =	vshrl.u32 v17, $0x7  }
0x2f: {  	v17 =	vshll.u32 v17, v1  }
0x30: {  	v17 =	vbroadcast v17, $0x0  }
0x31: {  	[tilespmem:v15+s21+$0x0] =	vst.idx.msk $0xffff, v13  }
0x32: {  	v15 =	vor.u32 v8, v17;
	v13 =	vld.idx.msk [tilespmem:v16+s19+$0x0], $0xffff  }
0x33: {  	v16 =	vor.u32 v9, v14;
	_ =	sdelay $0x3  }
0x34: {  	s10 =	simm.s32 $0xF0;
	[tilespmem:v15+s21+$0x0] =	vst.idx.msk $0xffff, v13  }
0x35: {  	s11 =	simm.s32 $0x120;
	v15 =	vadd.s32 s10, v2;
	v13 =	vld.idx.msk [tilespmem:v16+s19+$0x0], $0xffff  }
0x36: {  	v17 =	vmov s11;
	v16 =	vor.u32 v10, v14  }
0x37: {  	v17 =	vshrl.u32 v17, $0x7  }
0x38: {  	v17 =	vshll.u32 v17, v1  }
0x39: {  	v17 =	vbroadcast v17, $0x0  }
0x3a: {  	[tilespmem:v15+s21+$0x0] =	vst.idx.msk $0xffff, v13  }
0x3b: {  	v15 =	vor.u32 v11, v17;
	v13 =	vld.idx.msk [tilespmem:v16+s19+$0x0], $0xffff  }
0x3c: {  	v14 =	vor.u32 v12, v14;
	_ =	sdelay $0x1  }
0x3d: {  	s9 =	simm.s32 $0x1  }
0x3e: {  	s7 =	simm.s32 $0x2D0;
	s8 =	simm.s32 $0x150;
	s10 =	simm.s32 $0x450;
	v16 =	vmov s9  }
.LBB2_2:
0x3f: {  	p4 =	sne.s32 s10, $0x4AD0;
	v16 =	vand.u32 $0x7F, v16;
	[tilespmem:v15+s21+$0x0] =	vst.idx.msk $0xffff, v13  }
0x40: {  	v16 =	vbroadcast v16, $0x0;
	v13 =	vld.idx.msk [tilespmem:v14+s19+$0x0], $0xffff  }
0x41: {  	v14 =	vadd.s32 s8, v2;
	s8 =	smov.u32 s7;
	s7 =	smov.u32 s10  }
0x42: {  	s11 =	sadd.s32 $0xFFFFFEB0, s8;
	v15 =	vor.u32 v0, v16  }
0x43: {  	v17 =	vmov s11  }
0x44: {  	v17 =	vshrl.u32 v17, $0x7  }
0x45: {  	v17 =	vshll.u32 v17, v1  }
0x46: {  	v17 =	vbroadcast v17, $0x0;
	[tilespmem:v14+s21+$0x0] =	vst.idx.msk $0xffff, v13  }
0x47: {  	v13 =	vld.idx.msk [tilespmem:v15+s19+$0x0], $0xffff  }
0x48: {  	v14 =	vor.u32 v2, v17  }
0x49: {  	v15 =	vor.u32 v3, v16;
	_ =	sdelay $0x3  }
0x4a: {  	[tilespmem:v14+s21+$0x0] =	vst.idx.msk $0xffff, v13  }
0x4b: {  	s11 =	sadd.s32 $0xFFFFFEE0, s8;
	v13 =	vld.idx.msk [tilespmem:v15+s19+$0x0], $0xffff  }
0x4c: {  	v14 =	vadd.s32 s11, v2  }
0x4d: {  	v15 =	vor.u32 v4, v16;
	_ =	sdelay $0x3  }
0x4e: {  	[tilespmem:v14+s21+$0x0] =	vst.idx.msk $0xffff, v13  }
0x4f: {  	v13 =	vld.idx.msk [tilespmem:v15+s19+$0x0], $0xffff  }
0x50: {  	v14 =	vor.u32 v5, v17  }
0x51: {  	v15 =	vor.u32 v6, v16;
	_ =	sdelay $0x3  }
0x52: {  	[tilespmem:v14+s21+$0x0] =	vst.idx.msk $0xffff, v13  }
0x53: {  	s11 =	sadd.s32 $0xFFFFFF40, s8;
	v13 =	vld.idx.msk [tilespmem:v15+s19+$0x0], $0xffff  }
0x54: {  	v14 =	vadd.s32 s11, v2  }
0x55: {  	s11 =	sadd.s32 $0xFFFFFF70, s8;
	v15 =	vor.u32 v7, v16  }
0x56: {  	v17 =	vmov s11  }
0x57: {  	v17 =	vshrl.u32 v17, $0x7  }
0x58: {  	v17 =	vshll.u32 v17, v1  }
0x59: {  	[tilespmem:v14+s21+$0x0] =	vst.idx.msk $0xffff, v13;
	v13 =	vbroadcast v17, $0x0  }
0x5a: {  	v14 =	vld.idx.msk [tilespmem:v15+s19+$0x0], $0xffff  }
0x5b: {  	v13 =	vor.u32 v8, v13  }
0x5c: {  	v15 =	vor.u32 v9, v16;
	_ =	sdelay $0x3  }
0x5d: {  	[tilespmem:v13+s21+$0x0] =	vst.idx.msk $0xffff, v14  }
0x5e: {  	s11 =	sadd.s32 $0xFFFFFFA0, s8;
	v13 =	vld.idx.msk [tilespmem:v15+s19+$0x0], $0xffff  }
0x5f: {  	v14 =	vadd.s32 s11, v2  }
0x60: {  	s11 =	sadd.s32 $0xFFFFFFD0, s8;
	v15 =	vor.u32 v10, v16  }
0x61: {  	v17 =	vmov s11  }
0x62: {  	v17 =	vshrl.u32 v17, $0x7  }
0x63: {  	v17 =	vshll.u32 v17, v1  }
0x64: {  	[tilespmem:v14+s21+$0x0] =	vst.idx.msk $0xffff, v13;
	v14 =	vbroadcast v17, $0x0  }
0x65: {  	v13 =	vld.idx.msk [tilespmem:v15+s19+$0x0], $0xffff  }
.Ltmp0:
0x66: {  	v15 =	vor.u32 v11, v14;
	(pc) =	sbr.rel @p4 .LBB2_2-.Ltmp0, $3  }
0x67: {  	v14 =	vor.u32 v12, v16;
	_ =	sdelay $0x1  }
0x68: {  	s9 =	sadd.s32 $0x1, s9  }
0x69: {  	s10 =	sadd.s32 $0x180, s10;
	v16 =	vmov s9  }
0x6a: {  	_ =	sdelay $0x2  }
0x6b: {  	v16 =	vand.u32 $0x7F, v16  }
0x6c: {  	[tilespmem:v15+s21+$0x0] =	vst.idx.msk $0xffff, v13;
	v13 =	vbroadcast v16, $0x0  }
0x6d: {  	v15 =	vadd.s32 s8, v2;
	s10 =	sadd.s32 $0xFFFFFEB0, s7;
	v14 =	vld.idx.msk [tilespmem:v14+s19+$0x0], $0xffff  }
0x6e: {  	v17 =	vmov s10;
	v16 =	vor.u32 v0, v13  }
0x6f: {  	v17 =	vshrl.u32 v17, $0x7  }
0x70: {  	v17 =	vshll.u32 v17, v1  }
0x71: {  	v17 =	vbroadcast v17, $0x0  }
0x72: {  	[tilespmem:v15+s21+$0x0] =	vst.idx.msk $0xffff, v14  }
0x73: {  	v15 =	vor.u32 v2, v17;
	v14 =	vld.idx.msk [tilespmem:v16+s19+$0x0], $0xffff  }
0x74: {  	v16 =	vor.u32 v3, v13;
	_ =	sdelay $0x3  }
0x75: {  	s11 =	sadd.s32 $0xFFFFFEE0, s7;
	[tilespmem:v15+s21+$0x0] =	vst.idx.msk $0xffff, v14  }
0x76: {  	v15 =	vadd.s32 s11, v2;
	v14 =	vld.idx.msk [tilespmem:v16+s19+$0x0], $0xffff  }
0x77: {  	v16 =	vor.u32 v4, v13;
	_ =	sdelay $0x3  }
0x78: {  	[tilespmem:v15+s21+$0x0] =	vst.idx.msk $0xffff, v14  }
0x79: {  	v15 =	vor.u32 v5, v17;
	v14 =	vld.idx.msk [tilespmem:v16+s19+$0x0], $0xffff  }
0x7a: {  	v16 =	vor.u32 v6, v13;
	_ =	sdelay $0x3  }
0x7b: {  	s9 =	sadd.s32 $0xFFFFFF40, s7;
	[tilespmem:v15+s21+$0x0] =	vst.idx.msk $0xffff, v14  }
0x7c: {  	s10 =	sadd.s32 $0xFFFFFF70, s7;
	v15 =	vadd.s32 s9, v2;
	v14 =	vld.idx.msk [tilespmem:v16+s19+$0x0], $0xffff  }
0x7d: {  	v17 =	vmov s10;
	v16 =	vor.u32 v7, v13  }
0x7e: {  	v17 =	vshrl.u32 v17, $0x7  }
0x7f: {  	v17 =	vshll.u32 v17, v1  }
0x80: {  	v17 =	vbroadcast v17, $0x0  }
0x81: {  	[tilespmem:v15+s21+$0x0] =	vst.idx.msk $0xffff, v14  }
0x82: {  	v15 =	vor.u32 v8, v17;
	v14 =	vld.idx.msk [tilespmem:v16+s19+$0x0], $0xffff  }
0x83: {  	v16 =	vor.u32 v9, v13;
	_ =	sdelay $0x3  }
0x84: {  	s11 =	sadd.s32 $0xFFFFFFA0, s7;
	[tilespmem:v15+s21+$0x0] =	vst.idx.msk $0xffff, v14  }
0x85: {  	s9 =	sadd.s32 $0xFFFFFFD0, s7;
	v15 =	vadd.s32 s11, v2;
	v14 =	vld.idx.msk [tilespmem:v16+s19+$0x0], $0xffff  }
0x86: {  	v17 =	vmov s9;
	v16 =	vor.u32 v10, v13  }
0x87: {  	v17 =	vshrl.u32 v17, $0x7  }
0x88: {  	v17 =	vshll.u32 v17, v1  }
0x89: {  	v17 =	vbroadcast v17, $0x0  }
0x8a: {  	[tilespmem:v15+s21+$0x0] =	vst.idx.msk $0xffff, v14  }
0x8b: {  	v15 =	vor.u32 v11, v17;
	v14 =	vld.idx.msk [tilespmem:v16+s19+$0x0], $0xffff  }
0x8c: {  	v13 =	vor.u32 v12, v13;
	_ =	sdelay $0x3  }
0x8d: {  	[tilespmem:v15+s21+$0x0] =	vst.idx.msk $0xffff, v14  }
0x8e: {  	s10 =	simm.s32 $0x0;
	v14 =	vadd.s32 s7, v2;
	v13 =	vld.idx.msk [tilespmem:v13+s19+$0x0], $0xffff  }
0x8f: {  	v15 =	vmov s10  }
0x90: {  	v15 =	vand.u32 $0x7F, v15  }
0x91: {  	v15 =	vbroadcast v15, $0x0;
	_ =	sdelay $0x1  }
0x92: {  	s11 =	rddreg [dreg:$0x8];
	[tilespmem:v14+s21+$0x0] =	vst.idx.msk $0xffff, v13;
	v13 =	vor.u32 v0, v15  }
0x93: {  	[tilespmem:s19], [sflag:$0x9] =	stream.linear.gather [hbm4b:s11+s10], $0x4000, $0x38;
	[tilespmem:$0x1A8C0] =	vst v63  }
0x94: {  	_ =	swait.ge [sflag:s20], $0x4000  }
0x95: {  	[sflag:s20] =	ssyncset.done $0x0  }
0x96: {  	[sflag:s20] =	ssyncadd.s32 $0xFFFFC000  }
0x97: {  	s9 =	simm.s32 $0x8;
	v13 =	vld.idx.msk [tilespmem:v13+s19+$0x0], $0xffff  }
0x98: {  	v14 =	vadd.s32 s9, v2  }
0x99: {  	v16 =	vor.u32 v3, v15;
	_ =	sdelay $0x2  }
0x9a: {  	v13 =	vadd.s32 $0x3E8, v13  }
0x9b: {  	[tilespmem:v14+s21+$0x0] =	vst.idx.msk $0xffff, v13  }
0x9c: {  	s10 =	simm.s32 $0x38;
	v13 =	vld.idx.msk [tilespmem:v16+s19+$0x0], $0xffff  }
0x9d: {  	v14 =	vadd.s32 s10, v2  }
0x9e: {  	v16 =	vor.u32 v4, v15;
	_ =	sdelay $0x2  }
0x9f: {  	v13 =	vadd.s32 $0x3E8, v13  }
0xa0: {  	[tilespmem:v14+s21+$0x0] =	vst.idx.msk $0xffff, v13  }
0xa1: {  	s11 =	simm.s32 $0x68;
	v13 =	vld.idx.msk [tilespmem:v16+s19+$0x0], $0xffff  }
0xa2: {  	v14 =	vadd.s32 s11, v2  }
0xa3: {  	v16 =	vor.u32 v6, v15;
	_ =	sdelay $0x2  }
0xa4: {  	v13 =	vadd.s32 $0x3E8, v13  }
0xa5: {  	[tilespmem:v14+s21+$0x0] =	vst.idx.msk $0xffff, v13  }
0xa6: {  	s8 =	simm.s32 $0x98;
	v13 =	vld.idx.msk [tilespmem:v16+s19+$0x0], $0xffff  }
0xa7: {  	v14 =	vadd.s32 s8, v2  }
0xa8: {  	v16 =	vor.u32 v7, v15;
	_ =	sdelay $0x2  }
0xa9: {  	v13 =	vadd.s32 $0x3E8, v13  }
0xaa: {  	[tilespmem:v14+s21+$0x0] =	vst.idx.msk $0xffff, v13  }
0xab: {  	s9 =	simm.s32 $0xC8;
	v13 =	vld.idx.msk [tilespmem:v16+s19+$0x0], $0xffff  }
0xac: {  	v14 =	vadd.s32 s9, v2  }
0xad: {  	v16 =	vor.u32 v9, v15;
	_ =	sdelay $0x2  }
0xae: {  	v13 =	vadd.s32 $0x3E8, v13  }
0xaf: {  	[tilespmem:v14+s21+$0x0] =	vst.idx.msk $0xffff, v13  }
0xb0: {  	s10 =	simm.s32 $0xF8;
	v13 =	vld.idx.msk [tilespmem:v16+s19+$0x0], $0xffff  }
0xb1: {  	v14 =	vadd.s32 s10, v2  }
0xb2: {  	v16 =	vor.u32 v10, v15;
	_ =	sdelay $0x2  }
0xb3: {  	v13 =	vadd.s32 $0x3E8, v13  }
0xb4: {  	[tilespmem:v14+s21+$0x0] =	vst.idx.msk $0xffff, v13  }
0xb5: {  	s11 =	simm.s32 $0x128;
	v13 =	vld.idx.msk [tilespmem:v16+s19+$0x0], $0xffff  }
0xb6: {  	v14 =	vadd.s32 s11, v2;
	_ =	sdelay $0x1  }
0xb7: {  	v15 =	vor.u32 v12, v15;
	_ =	sdelay $0x1  }
0xb8: {  	s8 =	simm.s32 $0x1;
	v13 =	vadd.s32 $0x3E8, v13  }
0xb9: {  	[tilespmem:v14+s21+$0x0] =	vst.idx.msk $0xffff, v13;
	v13 =	vmov s8  }
0xba: {  	v13 =	vand.u32 $0x7F, v13  }
0xbb: {  	s10 =	simm.s32 $0x158;
	v16 =	vld.idx.msk [tilespmem:v15+s19+$0x0], $0xffff;
	v13 =	vbroadcast v13, $0x0  }
0xbc: {  	v15 =	vadd.s32 s10, v2  }
0xbd: {  	v14 =	vor.u32 v0, v13;
	_ =	sdelay $0x2  }
0xbe: {  	s7 =	simm.s32 $0x2D8;
	s9 =	simm.s32 $0x458;
	v16 =	vadd.s32 $0x3E8, v16  }
.LBB2_4:
0xbf: {  	p4 =	sne.s32 s9, $0x4AD8;
	[tilespmem:v15+s21+$0x0] =	vst.idx.msk $0xffff, v16;
	s10 =	smov.u32 s9;
	s9 =	sadd.s32 $0x180, s9  }
0xc0: {  	v14 =	vld.idx.msk [tilespmem:v14+s19+$0x0], $0xffff  }
0xc1: {  	s11 =	sadd.s32 $0xFFFFFEB0, s7  }
0xc2: {  	v15 =	vadd.s32 s11, v2  }
0xc3: {  	v16 =	vor.u32 v3, v13;
	_ =	sdelay $0x2  }
0xc4: {  	v14 =	vadd.s32 $0x3E8, v14  }
0xc5: {  	[tilespmem:v15+s21+$0x0] =	vst.idx.msk $0xffff, v14  }
0xc6: {  	v14 =	vld.idx.msk [tilespmem:v16+s19+$0x0], $0xffff  }
0xc7: {  	s11 =	sadd.s32 $0xFFFFFEE0, s7  }
0xc8: {  	v15 =	vadd.s32 s11, v2  }
0xc9: {  	v16 =	vor.u32 v4, v13;
	_ =	sdelay $0x2  }
0xca: {  	v14 =	vadd.s32 $0x3E8, v14  }
0xcb: {  	[tilespmem:v15+s21+$0x0] =	vst.idx.msk $0xffff, v14  }
0xcc: {  	v14 =	vld.idx.msk [tilespmem:v16+s19+$0x0], $0xffff  }
0xcd: {  	s11 =	sadd.s32 $0xFFFFFF10, s7  }
0xce: {  	v15 =	vadd.s32 s11, v2  }
0xcf: {  	v16 =	vor.u32 v6, v13;
	_ =	sdelay $0x2  }
0xd0: {  	v14 =	vadd.s32 $0x3E8, v14  }
0xd1: {  	[tilespmem:v15+s21+$0x0] =	vst.idx.msk $0xffff, v14  }
0xd2: {  	v14 =	vld.idx.msk [tilespmem:v16+s19+$0x0], $0xffff  }
0xd3: {  	s11 =	sadd.s32 $0xFFFFFF40, s7  }
0xd4: {  	v15 =	vadd.s32 s11, v2  }
0xd5: {  	v16 =	vor.u32 v7, v13;
	_ =	sdelay $0x2  }
0xd6: {  	v14 =	vadd.s32 $0x3E8, v14  }
0xd7: {  	[tilespmem:v15+s21+$0x0] =	vst.idx.msk $0xffff, v14  }
0xd8: {  	v14 =	vld.idx.msk [tilespmem:v16+s19+$0x0], $0xffff  }
0xd9: {  	s11 =	sadd.s32 $0xFFFFFF70, s7  }
0xda: {  	v15 =	vadd.s32 s11, v2  }
0xdb: {  	v16 =	vor.u32 v9, v13;
	_ =	sdelay $0x2  }
0xdc: {  	v14 =	vadd.s32 $0x3E8, v14  }
0xdd: {  	[tilespmem:v15+s21+$0x0] =	vst.idx.msk $0xffff, v14  }
0xde: {  	v14 =	vld.idx.msk [tilespmem:v16+s19+$0x0], $0xffff  }
0xdf: {  	s11 =	sadd.s32 $0xFFFFFFA0, s7  }
0xe0: {  	v15 =	vadd.s32 s11, v2  }
0xe1: {  	v16 =	vor.u32 v10, v13;
	_ =	sdelay $0x2  }
0xe2: {  	v14 =	vadd.s32 $0x3E8, v14  }
0xe3: {  	[tilespmem:v15+s21+$0x0] =	vst.idx.msk $0xffff, v14  }
0xe4: {  	v14 =	vld.idx.msk [tilespmem:v16+s19+$0x0], $0xffff  }
0xe5: {  	s11 =	sadd.s32 $0xFFFFFFD0, s7  }
0xe6: {  	v15 =	vadd.s32 s11, v2  }
0xe7: {  	v13 =	vor.u32 v12, v13;
	_ =	sdelay $0x2  }
0xe8: {  	s8 =	sadd.s32 $0x1, s8;
	v14 =	vadd.s32 $0x3E8, v14  }
0xe9: {  	v16 =	vmov s8;
	[tilespmem:v15+s21+$0x0] =	vst.idx.msk $0xffff, v14  }
0xea: {  	v14 =	vand.u32 $0x7F, v16;
	v16 =	vld.idx.msk [tilespmem:v13+s19+$0x0], $0xffff  }
0xeb: {  	v13 =	vbroadcast v14, $0x0  }
.Ltmp1:
0xec: {  	v15 =	vadd.s32 s7, v2;
	s7 =	smov.u32 s10;
	(pc) =	sbr.rel @p4 .LBB2_4-.Ltmp1, $2  }
0xed: {  	v14 =	vor.u32 v0, v13;
	_ =	sdelay $0x2  }
0xee: {  	v16 =	vadd.s32 $0x3E8, v16  }
0xef: {  	_ =	sdelay $0x3  }
0xf0: {  	[tilespmem:v15+s21+$0x0] =	vst.idx.msk $0xffff, v16  }
0xf1: {  	s8 =	sadd.s32 $0xFFFFFEB0, s7;
	v14 =	vld.idx.msk [tilespmem:v14+s19+$0x0], $0xffff  }
0xf2: {  	v15 =	vadd.s32 s8, v2  }
0xf3: {  	v16 =	vor.u32 v3, v13;
	_ =	sdelay $0x2  }
0xf4: {  	v14 =	vadd.s32 $0x3E8, v14  }
0xf5: {  	[tilespmem:v15+s21+$0x0] =	vst.idx.msk $0xffff, v14  }
0xf6: {  	s10 =	sadd.s32 $0xFFFFFEE0, s7;
	v14 =	vld.idx.msk [tilespmem:v16+s19+$0x0], $0xffff  }
0xf7: {  	v15 =	vadd.s32 s10, v2  }
0xf8: {  	v16 =	vor.u32 v4, v13;
	_ =	sdelay $0x2  }
0xf9: {  	v14 =	vadd.s32 $0x3E8, v14  }
0xfa: {  	[tilespmem:v15+s21+$0x0] =	vst.idx.msk $0xffff, v14  }
0xfb: {  	s11 =	sadd.s32 $0xFFFFFF10, s7;
	v14 =	vld.idx.msk [tilespmem:v16+s19+$0x0], $0xffff  }
0xfc: {  	v15 =	vadd.s32 s11, v2  }
0xfd: {  	v16 =	vor.u32 v6, v13;
	_ =	sdelay $0x2  }
0xfe: {  	v14 =	vadd.s32 $0x3E8, v14  }
0xff: {  	[tilespmem:v15+s21+$0x0] =	vst.idx.msk $0xffff, v14  }
0x100: {  	s9 =	sadd.s32 $0xFFFFFF40, s7;
	v14 =	vld.idx.msk [tilespmem:v16+s19+$0x0], $0xffff  }
0x101: {  	v15 =	vadd.s32 s9, v2  }
0x102: {  	v16 =	vor.u32 v7, v13;
	_ =	sdelay $0x2  }
0x103: {  	v14 =	vadd.s32 $0x3E8, v14  }
0x104: {  	[tilespmem:v15+s21+$0x0] =	vst.idx.msk $0xffff, v14  }
0x105: {  	s10 =	sadd.s32 $0xFFFFFF70, s7;
	v14 =	vld.idx.msk [tilespmem:v16+s19+$0x0], $0xffff  }
0x106: {  	v15 =	vadd.s32 s10, v2  }
0x107: {  	v16 =	vor.u32 v9, v13;
	_ =	sdelay $0x2  }
0x108: {  	v14 =	vadd.s32 $0x3E8, v14  }
0x109: {  	[tilespmem:v15+s21+$0x0] =	vst.idx.msk $0xffff, v14  }
0x10a: {  	s11 =	sadd.s32 $0xFFFFFFA0, s7;
	v14 =	vld.idx.msk [tilespmem:v16+s19+$0x0], $0xffff  }
0x10b: {  	v15 =	vadd.s32 s11, v2  }
0x10c: {  	v16 =	vor.u32 v10, v13;
	_ =	sdelay $0x2  }
0x10d: {  	v14 =	vadd.s32 $0x3E8, v14  }
0x10e: {  	[tilespmem:v15+s21+$0x0] =	vst.idx.msk $0xffff, v14  }
0x10f: {  	s9 =	sadd.s32 $0xFFFFFFD0, s7;
	v14 =	vld.idx.msk [tilespmem:v16+s19+$0x0], $0xffff  }
0x110: {  	v15 =	vadd.s32 s9, v2  }
0x111: {  	v13 =	vor.u32 v12, v13;
	_ =	sdelay $0x2  }
0x112: {  	v14 =	vadd.s32 $0x3E8, v14  }
0x113: {  	[tilespmem:v15+s21+$0x0] =	vst.idx.msk $0xffff, v14  }
0x114: {  	v13 =	vld.idx.msk [tilespmem:v13+s19+$0x0], $0xffff  }
0x115: {  	s10 =	simm.s32 $0x0;
	v14 =	vadd.s32 s7, v2  }
0x116: {  	v15 =	vmov s10  }
0x117: {  	v15 =	vand.u32 $0x7F, v15  }
0x118: {  	v15 =	vbroadcast v15, $0x0  }
0x119: {  	v13 =	vadd.s32 $0x3E8, v13  }
0x11a: {  	s11 =	rddreg [dreg:$0x9];
	[tilespmem:v14+s21+$0x0] =	vst.idx.msk $0xffff, v13;
	v13 =	vor.u32 v0, v15  }
0x11b: {  	[tilespmem:s19], [sflag:$0x9] =	stream.linear.gather [hbm4b:s11+s10], $0x4000, $0x38;
	[tilespmem:$0x1A8C0] =	vst v63  }
0x11c: {  	_ =	swait.ge [sflag:s20], $0x4000  }
0x11d: {  	[sflag:s20] =	ssyncset.done $0x0  }
0x11e: {  	[sflag:s20] =	ssyncadd.s32 $0xFFFFC000  }
0x11f: {  	s9 =	simm.s32 $0x10;
	v13 =	vld.idx.msk [tilespmem:v13+s19+$0x0], $0xffff  }
0x120: {  	v14 =	vadd.s32 s9, v2  }
0x121: {  	v16 =	vor.u32 v3, v15  }
0x122: {  	v17 =	vmov s10  }
0x123: {  	v17 =	vshrl.u32 v17, $0x7  }
0x124: {  	v17 =	vshll.u32 v17, v1;
	v13 =	vadd.s32 $0x7D0, v13  }
0x125: {  	[tilespmem:v14+s21+$0x0] =	vst.idx.msk $0xffff, v13;
	v13 =	vbroadcast v17, $0x0  }
0x126: {  	v14 =	vld.idx.msk [tilespmem:v16+s19+$0x0], $0xffff  }
0x127: {  	v13 =	vor.u32 v8, v13  }
0x128: {  	v16 =	vor.u32 v4, v15;
	_ =	sdelay $0x2  }
0x129: {  	v14 =	vadd.s32 $0x7D0, v14  }
0x12a: {  	[tilespmem:v13+s21+$0x0] =	vst.idx.msk $0xffff, v14  }
0x12b: {  	s10 =	simm.s32 $0x70;
	v13 =	vld.idx.msk [tilespmem:v16+s19+$0x0], $0xffff  }
0x12c: {  	v14 =	vadd.s32 s10, v2  }
0x12d: {  	s11 =	simm.s32 $0xA0;
	v16 =	vor.u32 v6, v15  }
0x12e: {  	v17 =	vmov s11  }
0x12f: {  	v17 =	vshrl.u32 v17, $0x7  }
0x130: {  	v17 =	vshll.u32 v17, v1;
	v13 =	vadd.s32 $0x7D0, v13  }
0x131: {  	[tilespmem:v14+s21+$0x0] =	vst.idx.msk $0xffff, v13;
	v13 =	vbroadcast v17, $0x0  }
0x132: {  	v14 =	vld.idx.msk [tilespmem:v16+s19+$0x0], $0xffff  }
0x133: {  	v13 =	vor.u32 v11, v13  }
0x134: {  	v16 =	vor.u32 v7, v15;
	_ =	sdelay $0x2  }
0x135: {  	v14 =	vadd.s32 $0x7D0, v14  }
0x136: {  	[tilespmem:v13+s21+$0x0] =	vst.idx.msk $0xffff, v14  }
0x137: {  	s8 =	simm.s32 $0xD0;
	v13 =	vld.idx.msk [tilespmem:v16+s19+$0x0], $0xffff  }
0x138: {  	v14 =	vadd.s32 s8, v2  }
0x139: {  	s9 =	simm.s32 $0x100;
	v16 =	vor.u32 v9, v15  }
0x13a: {  	v17 =	vmov s9  }
0x13b: {  	v17 =	vshrl.u32 v17, $0x7  }
0x13c: {  	v17 =	vshll.u32 v17, v1;
	v13 =	vadd.s32 $0x7D0, v13  }
0x13d: {  	[tilespmem:v14+s21+$0x0] =	vst.idx.msk $0xffff, v13;
	v13 =	vbroadcast v17, $0x0  }
0x13e: {  	v14 =	vld.idx.msk [tilespmem:v16+s19+$0x0], $0xffff  }
0x13f: {  	v13 =	vor.u32 v2, v13  }
0x140: {  	v16 =	vor.u32 v10, v15;
	_ =	sdelay $0x2  }
0x141: {  	v14 =	vadd.s32 $0x7D0, v14  }
0x142: {  	[tilespmem:v13+s21+$0x0] =	vst.idx.msk $0xffff, v14  }
0x143: {  	s10 =	simm.s32 $0x130;
	v13 =	vld.idx.msk [tilespmem:v16+s19+$0x0], $0xffff  }
0x144: {  	v14 =	vadd.s32 s10, v2;
	_ =	sdelay $0x2  }
0x145: {  	v15 =	vor.u32 v12, v15  }
0x146: {  	s11 =	simm.s32 $0x160;
	v13 =	vadd.s32 $0x7D0, v13  }
0x147: {  	[tilespmem:v14+s21+$0x0] =	vst.idx.msk $0xffff, v13;
	v13 =	vmov s11  }
0x148: {  	s8 =	simm.s32 $0x1;
	v13 =	vshrl.u32 v13, $0x7  }
0x149: {  	v14 =	vmov s8;
	v13 =	vshll.u32 v13, v1  }
0x14a: {  	v16 =	vld.idx.msk [tilespmem:v15+s19+$0x0], $0xffff;
	v14 =	vand.u32 $0x7F, v14;
	v15 =	vbroadcast v13, $0x0  }
0x14b: {  	v13 =	vbroadcast v14, $0x0  }
0x14c: {  	v15 =	vor.u32 v5, v15  }
0x14d: {  	v14 =	vor.u32 v0, v13;
	_ =	sdelay $0x2  }
0x14e: {  	s7 =	simm.s32 $0x180;
	s9 =	simm.s32 $0x300;
	v16 =	vadd.s32 $0x7D0, v16  }
.LBB2_6:
0x14f: {  	p4 =	sne.s32 s9, $0x4980;
	[tilespmem:v15+s21+$0x0] =	vst.idx.msk $0xffff, v16;
	s10 =	smov.u32 s9;
	s9 =	sadd.s32 $0x180, s9  }
0x150: {  	v14 =	vld.idx.msk [tilespmem:v14+s19+$0x0], $0xffff  }
0x151: {  	s11 =	sadd.s32 $0x10, s7  }
0x152: {  	v15 =	vadd.s32 s11, v2  }
0x153: {  	v16 =	vor.u32 v3, v13;
	_ =	sdelay $0x1  }
0x154: {  	v17 =	vmov s7  }
0x155: {  	v17 =	vshrl.u32 v17, $0x7;
	v14 =	vadd.s32 $0x7D0, v14  }
0x156: {  	[tilespmem:v15+s21+$0x0] =	vst.idx.msk $0xffff, v14;
	v14 =	vshll.u32 v17, v1  }
0x157: {  	v15 =	vld.idx.msk [tilespmem:v16+s19+$0x0], $0xffff;
	v14 =	vbroadcast v14, $0x0;
	_ =	sdelay $0x1  }
0x158: {  	v14 =	vor.u32 v8, v14  }
0x159: {  	v16 =	vor.u32 v4, v13;
	_ =	sdelay $0x2  }
0x15a: {  	v15 =	vadd.s32 $0x7D0, v15  }
0x15b: {  	[tilespmem:v14+s21+$0x0] =	vst.idx.msk $0xffff, v15  }
0x15c: {  	v14 =	vld.idx.msk [tilespmem:v16+s19+$0x0], $0xffff  }
0x15d: {  	s11 =	sadd.s32 $0x70, s7  }
0x15e: {  	v15 =	vadd.s32 s11, v2  }
0x15f: {  	v16 =	vor.u32 v6, v13  }
0x160: {  	s11 =	sadd.s32 $0xA0, s7  }
0x161: {  	v17 =	vmov s11  }
0x162: {  	v17 =	vshrl.u32 v17, $0x7;
	v14 =	vadd.s32 $0x7D0, v14  }
0x163: {  	[tilespmem:v15+s21+$0x0] =	vst.idx.msk $0xffff, v14;
	v14 =	vshll.u32 v17, v1  }
0x164: {  	v15 =	vld.idx.msk [tilespmem:v16+s19+$0x0], $0xffff;
	v14 =	vbroadcast v14, $0x0;
	_ =	sdelay $0x1  }
0x165: {  	v14 =	vor.u32 v11, v14  }
0x166: {  	v16 =	vor.u32 v7, v13;
	_ =	sdelay $0x2  }
0x167: {  	v15 =	vadd.s32 $0x7D0, v15  }
0x168: {  	[tilespmem:v14+s21+$0x0] =	vst.idx.msk $0xffff, v15  }
0x169: {  	v14 =	vld.idx.msk [tilespmem:v16+s19+$0x0], $0xffff  }
0x16a: {  	s11 =	sadd.s32 $0xD0, s7  }
0x16b: {  	v15 =	vadd.s32 s11, v2  }
0x16c: {  	v16 =	vor.u32 v9, v13  }
0x16d: {  	s11 =	sadd.s32 $0x100, s7  }
0x16e: {  	v17 =	vmov s11  }
0x16f: {  	v17 =	vshrl.u32 v17, $0x7;
	v14 =	vadd.s32 $0x7D0, v14  }
0x170: {  	[tilespmem:v15+s21+$0x0] =	vst.idx.msk $0xffff, v14;
	v14 =	vshll.u32 v17, v1  }
0x171: {  	v15 =	vld.idx.msk [tilespmem:v16+s19+$0x0], $0xffff;
	v14 =	vbroadcast v14, $0x0;
	_ =	sdelay $0x1  }
0x172: {  	v14 =	vor.u32 v2, v14  }
0x173: {  	v16 =	vor.u32 v10, v13;
	_ =	sdelay $0x2  }
0x174: {  	v15 =	vadd.s32 $0x7D0, v15  }
0x175: {  	[tilespmem:v14+s21+$0x0] =	vst.idx.msk $0xffff, v15  }
0x176: {  	v14 =	vld.idx.msk [tilespmem:v16+s19+$0x0], $0xffff  }
0x177: {  	s11 =	sadd.s32 $0x130, s7  }
0x178: {  	v15 =	vadd.s32 s11, v2  }
0x179: {  	v13 =	vor.u32 v12, v13  }
0x17a: {  	s11 =	sadd.s32 $0x160, s7;
	s7 =	smov.u32 s10  }
0x17b: {  	v16 =	vmov s11  }
0x17c: {  	s8 =	sadd.s32 $0x1, s8;
	v16 =	vshrl.u32 v16, $0x7;
	v14 =	vadd.s32 $0x7D0, v14  }
0x17d: {  	v17 =	vmov s8;
	[tilespmem:v15+s21+$0x0] =	vst.idx.msk $0xffff, v14;
	v14 =	vshll.u32 v16, v1  }
0x17e: {  	v15 =	vand.u32 $0x7F, v17;
	v16 =	vld.idx.msk [tilespmem:v13+s19+$0x0], $0xffff;
	v14 =	vbroadcast v14, $0x0  }
0x17f: {  	v13 =	vbroadcast v15, $0x0  }
.Ltmp2:
0x180: {  	v15 =	vor.u32 v5, v14;
	(pc) =	sbr.rel @p4 .LBB2_6-.Ltmp2, $2  }
0x181: {  	v14 =	vor.u32 v0, v13;
	_ =	sdelay $0x2  }
0x182: {  	v16 =	vadd.s32 $0x7D0, v16  }
0x183: {  	_ =	sdelay $0x3  }
0x184: {  	[tilespmem:v15+s21+$0x0] =	vst.idx.msk $0xffff, v16  }
0x185: {  	s8 =	sadd.s32 $0x10, s7;
	v14 =	vld.idx.msk [tilespmem:v14+s19+$0x0], $0xffff  }
0x186: {  	v15 =	vadd.s32 s8, v2  }
0x187: {  	v55 =	vor.u32 v3, v13  }
0x188: {  	v17 =	vmov s7  }
0x189: {  	v17 =	vshrl.u32 v17, $0x7  }
0x18a: {  	v17 =	vshll.u32 v17, v1;
	v14 =	vadd.s32 $0x7D0, v14  }
0x18b: {  	[tilespmem:v15+s21+$0x0] =	vst.idx.msk $0xffff, v14;
	v14 =	vbroadcast v17, $0x0  }
0x18c: {  	v15 =	vld.idx.msk [tilespmem:v55+s19+$0x0], $0xffff  }
0x18d: {  	v14 =	vor.u32 v8, v14  }
0x18e: {  	v56 =	vor.u32 v4, v13;
	_ =	sdelay $0x2  }
0x18f: {  	v15 =	vadd.s32 $0x7D0, v15  }
0x190: {  	[tilespmem:v14+s21+$0x0] =	vst.idx.msk $0xffff, v15  }
0x191: {  	s10 =	sadd.s32 $0x70, s7;
	v14 =	vld.idx.msk [tilespmem:v56+s19+$0x0], $0xffff  }
0x192: {  	v15 =	vadd.s32 s10, v2  }
0x193: {  	v57 =	vor.u32 v6, v13;
	s11 =	sadd.s32 $0xA0, s7  }
0x194: {  	v58 =	vmov s11  }
0x195: {  	v17 =	vshrl.u32 v58, $0x7  }
0x196: {  	v17 =	vshll.u32 v17, v1;
	v14 =	vadd.s32 $0x7D0, v14  }
0x197: {  	[tilespmem:v15+s21+$0x0] =	vst.idx.msk $0xffff, v14;
	v14 =	vbroadcast v17, $0x0  }
0x198: {  	v15 =	vld.idx.msk [tilespmem:v57+s19+$0x0], $0xffff  }
0x199: {  	v14 =	vor.u32 v11, v14  }
0x19a: {  	v59 =	vor.u32 v7, v13;
	_ =	sdelay $0x2  }
0x19b: {  	v15 =	vadd.s32 $0x7D0, v15  }
0x19c: {  	[tilespmem:v14+s21+$0x0] =	vst.idx.msk $0xffff, v15  }
0x19d: {  	s9 =	sadd.s32 $0xD0, s7;
	v14 =	vld.idx.msk [tilespmem:v59+s19+$0x0], $0xffff  }
0x19e: {  	v15 =	vadd.s32 s9, v2  }
0x19f: {  	v60 =	vor.u32 v9, v13;
	s10 =	sadd.s32 $0x100, s7  }
0x1a0: {  	v61 =	vmov s10  }
0x1a1: {  	v17 =	vshrl.u32 v61, $0x7  }
0x1a2: {  	v17 =	vshll.u32 v17, v1;
	v14 =	vadd.s32 $0x7D0, v14  }
0x1a3: {  	[tilespmem:v15+s21+$0x0] =	vst.idx.msk $0xffff, v14;
	v14 =	vbroadcast v17, $0x0  }
0x1a4: {  	v15 =	vld.idx.msk [tilespmem:v60+s19+$0x0], $0xffff  }
0x1a5: {  	v14 =	vor.u32 v2, v14  }
0x1a6: {  	v62 =	vor.u32 v10, v13;
	_ =	sdelay $0x2  }
0x1a7: {  	v15 =	vadd.s32 $0x7D0, v15  }
0x1a8: {  	[tilespmem:v14+s21+$0x0] =	vst.idx.msk $0xffff, v15  }
0x1a9: {  	s11 =	sadd.s32 $0x130, s7;
	v14 =	vld.idx.msk [tilespmem:v62+s19+$0x0], $0xffff  }
0x1aa: {  	v15 =	vadd.s32 s11, v2  }
0x1ab: {  	v13 =	vor.u32 v12, v13;
	s9 =	sadd.s32 $0x160, s7  }
0x1ac: {  	v63 =	vmov s9  }
0x1ad: {  	v16 =	vshrl.u32 v63, $0x7  }
0x1ae: {  	v16 =	vshll.u32 v16, v1;
	v14 =	vadd.s32 $0x7D0, v14  }
0x1af: {  	[tilespmem:v15+s21+$0x0] =	vst.idx.msk $0xffff, v14;
	v14 =	vbroadcast v16, $0x0  }
0x1b0: {  	v13 =	vld.idx.msk [tilespmem:v13+s19+$0x0], $0xffff  }
0x1b1: {  	v14 =	vor.u32 v5, v14;
	_ =	sdelay $0x3  }
0x1b2: {  	v13 =	vadd.s32 $0x7D0, v13  }
0x1b3: {  	s7 =	simm.s32 @!p3 $0x1;
	[tilespmem:v14+s21+$0x0] =	vst.idx.msk $0xffff, v13  }
0x1b4: {  	_ =	swait.ge @!p3 [sflag:s7], $0x3E80  }
0x1b5: {  	[sflag:s7] =	ssyncset.done @!p3 $0x0  }
0x1b6: {  	[sflag:s7] =	ssyncadd.s32 @!p3 $0xFFFFC180  }
0x1b7: {  	[bflag:$0x0] =	sbarrier.arrive $0xFFFF  }
0x1b8: {  	[tilespmem:s23], [sflag:$0x1] =	stream.indirect.gather [spmem:s4], $0x80, s21, s22, $0xb8;
	[tilespmem:$0x1A8C0] =	vst v63  }
0x1b9: {  	s10 =	simm.s32 $0x9E20  }
0x1ba: {  	[tilespmem:s25], [sflag:$0x2] =	stream.indirect.gather [spmem:s4], $0x80, s10, s22, $0xb8;
	[tilespmem:$0x1A8C0] =	vst v63  }
0x1bb: {  	s11 =	simm.s32 $0x9E80  }
0x1bc: {  	[tilespmem:s28], [sflag:$0x3] =	stream.indirect.gather [spmem:s4], $0x80, s11, s22, $0xb8;
	[tilespmem:$0x1A8C0] =	vst v63  }
0x1bd: {  	s8 =	simm.s32 $0x9EE0  }
0x1be: {  	[tilespmem:s30], [sflag:$0x4] =	stream.indirect.gather [spmem:s4], $0x80, s8, s22, $0xb8;
	[tilespmem:$0x1A8C0] =	vst v63  }
0x1bf: {  	_ =	swait.ge [sflag:s31], $0x3000  }
0x1c0: {  	[sflag:s31] =	ssyncset.done $0x0  }
0x1c1: {  	s9 =	sadd.s32 $0x0, s15;
	[sflag:s31] =	ssyncadd.s32 $0xFFFFD000  }
0x1c2: {  	[hbm4b:s9+s6] =	stream.linear.scatter [tilespmem:s23], [sflag:$0x5], $0x3000, $0x38;
	[tilespmem:$0x1A8C0] =	vst v63  }
0x1c3: {  	_ =	swait.ge [sflag:s0], $0x3000  }
0x1c4: {  	[sflag:s0] =	ssyncset.done $0x0  }
0x1c5: {  	s10 =	sadd.s32 $0x600, s9;
	[sflag:s0] =	ssyncadd.s32 $0xFFFFD000  }
0x1c6: {  	[hbm4b:s10+s6] =	stream.linear.scatter [tilespmem:s25], [sflag:$0x6], $0x3000, $0x38;
	[tilespmem:$0x1A8C0] =	vst v63  }
0x1c7: {  	_ =	swait.ge [sflag:s5], $0x3000  }
0x1c8: {  	[sflag:s5] =	ssyncset.done $0x0  }
0x1c9: {  	s11 =	sadd.s32 $0xC00, s9;
	[sflag:s5] =	ssyncadd.s32 $0xFFFFD000  }
0x1ca: {  	[hbm4b:s11+s6] =	stream.linear.scatter [tilespmem:s28], [sflag:$0x7], $0x3000, $0x38;
	[tilespmem:$0x1A8C0] =	vst v63  }
0x1cb: {  	_ =	swait.ge [sflag:s1], $0x3000  }
0x1cc: {  	[sflag:s1] =	ssyncset.done $0x0  }
0x1cd: {  	s7 =	sadd.s32 $0x1200, s9;
	[sflag:s1] =	ssyncadd.s32 $0xFFFFD000  }
0x1ce: {  	[hbm4b:s7+s6] =	stream.linear.scatter [tilespmem:s30], [sflag:$0x8], $0x3000, $0x38;
	[tilespmem:$0x1A8C0] =	vst v63  }
0x1cf: {  	_ =	swait.ge [sflag:s2], $0x3000  }
0x1d0: {  	[sflag:s2] =	ssyncset.done $0x0  }
0x1d1: {  	s9 =	simm.s32 $0x9F40;
	[sflag:s2] =	ssyncadd.s32 $0xFFFFD000  }
0x1d2: {  	[tilespmem:s23], [sflag:$0x1] =	stream.indirect.gather [spmem:s4], $0x80, s9, s22, $0xb8;
	[tilespmem:$0x1A8C0] =	vst v63  }
0x1d3: {  	_ =	swait.ge [sflag:s3], $0x3000  }
0x1d4: {  	[sflag:s3] =	ssyncset.done $0x0  }
0x1d5: {  	s10 =	simm.s32 $0x9FA0;
	[sflag:s3] =	ssyncadd.s32 $0xFFFFD000  }
0x1d6: {  	[tilespmem:s25], [sflag:$0x2] =	stream.indirect.gather [spmem:s4], $0x80, s10, s22, $0xb8;
	[tilespmem:$0x1A8C0] =	vst v63  }
0x1d7: {  	_ =	swait.ge [sflag:s24], $0x3000  }
0x1d8: {  	[sflag:s24] =	ssyncset.done $0x0  }
0x1d9: {  	s11 =	simm.s32 $0xA000;
	[sflag:s24] =	ssyncadd.s32 $0xFFFFD000  }
0x1da: {  	[tilespmem:s28], [sflag:$0x3] =	stream.indirect.gather [spmem:s4], $0x80, s11, s22, $0xb8;
	[tilespmem:$0x1A8C0] =	vst v63  }
0x1db: {  	_ =	swait.ge [sflag:s26], $0x3000  }
0x1dc: {  	s8 =	simm.s32 $0x30000;
	[sflag:s26] =	ssyncset.done $0x0  }
0x1dd: {  	s7 =	simm.s32 $0xA060;
	s9 =	simm.s32 $0xA1E0;
	[sflag:s26] =	ssyncadd.s32 $0xFFFFD000  }
.LBB2_8:
0x1de: {  	[tilespmem:s30], [sflag:$0x4] =	stream.indirect.gather [spmem:s4], $0x80, s7, s22, $0xb8;
	[tilespmem:$0x1A8C0] =	vst v63  }
0x1df: {  	s10 =	smov.u32 s8;
	s7 =	smov.u32 s9  }
0x1e0: {  	p4 =	sne.s32 s8, $0x900000;
	s8 =	sadd.s32 $0x30000, s8;
	_ =	swait.ge [sflag:s31], $0x3000  }
0x1e1: {  	[sflag:s31] =	ssyncset.done $0x0  }
0x1e2: {  	s10 =	sadd.s32 s10, s15;
	[sflag:s31] =	ssyncadd.s32 $0xFFFFD000  }
0x1e3: {  	[hbm4b:s10+s6] =	stream.linear.scatter [tilespmem:s23], [sflag:$0x5], $0x3000, $0x38;
	[tilespmem:$0x1A8C0] =	vst v63  }
0x1e4: {  	_ =	swait.ge [sflag:s0], $0x3000  }
0x1e5: {  	[sflag:s0] =	ssyncset.done $0x0  }
0x1e6: {  	s11 =	sadd.s32 $0x600, s10;
	[sflag:s0] =	ssyncadd.s32 $0xFFFFD000  }
0x1e7: {  	[hbm4b:s11+s6] =	stream.linear.scatter [tilespmem:s25], [sflag:$0x6], $0x3000, $0x38;
	[tilespmem:$0x1A8C0] =	vst v63  }
0x1e8: {  	_ =	swait.ge [sflag:s5], $0x3000  }
0x1e9: {  	[sflag:s5] =	ssyncset.done $0x0  }
0x1ea: {  	s11 =	sadd.s32 $0xC00, s10;
	[sflag:s5] =	ssyncadd.s32 $0xFFFFD000  }
0x1eb: {  	[hbm4b:s11+s6] =	stream.linear.scatter [tilespmem:s28], [sflag:$0x7], $0x3000, $0x38;
	[tilespmem:$0x1A8C0] =	vst v63  }
0x1ec: {  	_ =	swait.ge [sflag:s1], $0x3000  }
0x1ed: {  	[sflag:s1] =	ssyncset.done $0x0  }
0x1ee: {  	s10 =	sadd.s32 $0x1200, s10;
	[sflag:s1] =	ssyncadd.s32 $0xFFFFD000  }
0x1ef: {  	[hbm4b:s10+s6] =	stream.linear.scatter [tilespmem:s30], [sflag:$0x8], $0x3000, $0x38;
	[tilespmem:$0x1A8C0] =	vst v63  }
0x1f0: {  	_ =	swait.ge [sflag:s2], $0x3000  }
0x1f1: {  	[sflag:s2] =	ssyncset.done $0x0  }
0x1f2: {  	s10 =	sadd.s32 $0xFFFFFEE0, s9;
	[sflag:s2] =	ssyncadd.s32 $0xFFFFD000  }
0x1f3: {  	[tilespmem:s23], [sflag:$0x1] =	stream.indirect.gather [spmem:s4], $0x80, s10, s22, $0xb8;
	[tilespmem:$0x1A8C0] =	vst v63  }
0x1f4: {  	_ =	swait.ge [sflag:s3], $0x3000  }
0x1f5: {  	[sflag:s3] =	ssyncset.done $0x0  }
0x1f6: {  	s10 =	sadd.s32 $0xFFFFFF40, s9;
	[sflag:s3] =	ssyncadd.s32 $0xFFFFD000  }
0x1f7: {  	[tilespmem:s25], [sflag:$0x2] =	stream.indirect.gather [spmem:s4], $0x80, s10, s22, $0xb8;
	[tilespmem:$0x1A8C0] =	vst v63  }
0x1f8: {  	_ =	swait.ge [sflag:s24], $0x3000  }
0x1f9: {  	[sflag:s24] =	ssyncset.done $0x0  }
.Ltmp3:
0x1fa: {  	s10 =	sadd.s32 $0xFFFFFFA0, s9;
	[sflag:s24] =	ssyncadd.s32 $0xFFFFD000;
	(pc) =	sbr.rel @p4 .LBB2_8-.Ltmp3, $4  }
0x1fb: {  	[tilespmem:s28], [sflag:$0x3] =	stream.indirect.gather [spmem:s4], $0x80, s10, s22, $0xb8;
	[tilespmem:$0x1A8C0] =	vst v63  }
0x1fc: {  	_ =	swait.ge [sflag:s26], $0x3000  }
0x1fd: {  	[sflag:s26] =	ssyncset.done $0x0  }
0x1fe: {  	s9 =	sadd.s32 $0x180, s9;
	[sflag:s26] =	ssyncadd.s32 $0xFFFFD000  }
0x1ff: {  	[tilespmem:s30], [sflag:$0x4] =	stream.indirect.gather [spmem:s4], $0x80, s7, s22, $0xb8;
	[tilespmem:$0x1A8C0] =	vst v63  }
0x200: {  	_ =	swait.ge [sflag:s31], $0x3000  }
0x201: {  	[sflag:s31] =	ssyncset.done $0x0  }
0x202: {  	s10 =	rddreg [dreg:$0xa];
	[sflag:s31] =	ssyncadd.s32 $0xFFFFD000  }
0x203: {  	[hbm4b:s10+s6] =	stream.linear.scatter [tilespmem:s23], [sflag:$0x5], $0x3000, $0x38;
	[tilespmem:$0x1A8C0] =	vst v63  }
0x204: {  	_ =	swait.ge [sflag:s0], $0x3000  }
0x205: {  	[sflag:s0] =	ssyncset.done $0x0  }
0x206: {  	[sflag:s0] =	ssyncadd.s32 $0xFFFFD000  }
0x207: {  	[hbm4b:s12+s6] =	stream.linear.scatter [tilespmem:s25], [sflag:$0x6], $0x3000, $0x38;
	[tilespmem:$0x1A8C0] =	vst v63  }
0x208: {  	_ =	swait.ge [sflag:s5], $0x3000  }
0x209: {  	[sflag:s5] =	ssyncset.done $0x0  }
0x20a: {  	[sflag:s5] =	ssyncadd.s32 $0xFFFFD000  }
0x20b: {  	[hbm4b:s13+s6] =	stream.linear.scatter [tilespmem:s28], [sflag:$0x7], $0x3000, $0x38;
	[tilespmem:$0x1A8C0] =	vst v63  }
0x20c: {  	_ =	swait.ge [sflag:s1], $0x3000  }
0x20d: {  	[sflag:s1] =	ssyncset.done $0x0  }
0x20e: {  	[sflag:s1] =	ssyncadd.s32 $0xFFFFD000  }
0x20f: {  	[hbm4b:s14+s6] =	stream.linear.scatter [tilespmem:s30], [sflag:$0x8], $0x3000, $0x38;
	[tilespmem:$0x1A8C0] =	vst v63  }
0x210: {  	_ =	swait.ge [sflag:s2], $0x3000  }
0x211: {  	[sflag:s2] =	ssyncset.done $0x0  }
0x212: {  	[sflag:s2] =	ssyncadd.s32 $0xFFFFD000  }
0x213: {  	_ =	swait.ge [sflag:s3], $0x3000  }
0x214: {  	[sflag:s3] =	ssyncset.done $0x0  }
0x215: {  	[sflag:s3] =	ssyncadd.s32 $0xFFFFD000  }
0x216: {  	_ =	swait.ge [sflag:s24], $0x3000  }
0x217: {  	[sflag:s24] =	ssyncset.done $0x0  }
0x218: {  	[sflag:s24] =	ssyncadd.s32 $0xFFFFD000  }
0x219: {  	_ =	swait.ge [sflag:s26], $0x3000  }
0x21a: {  	s29 =	sadd.s32 $0x1, s29;
	s11 =	rddreg [dreg:$0xb]  }
0x21b: {  	p4 =	sne.s32 s29, s11  }
.Ltmp4:
0x21c: {  	_ = 	snop;
	(pc) =	sbr.rel @p4 .LBB2_1-.Ltmp4, $3  }
0x21d: {  	_ =	sdelay $0x1  }
0x21e: {  	[sflag:s26] =	ssyncset.done $0x0  }
0x21f: {  	[sflag:s26] =	ssyncadd.s32 $0xFFFFD000  }
0x220: {  	_ =	sfence.sel $0x180000  }
0x221: {  	[bflag:$0x0] =	sbarrier.arrive $0xFFFF  }
0x222: {  	_ =	strace $0x90000047  }
0x223: {  	s0 =	stileid.u32;
	[bflag:$0x2] =	sbarrier.arrive $0xFFFF  }
0x224: {  	p0 =	sne.s32 s0, $0x0;
	s0 =	rddreg [dreg:$0x6]  }
0x225: {  	s0 =	sadd.s32 @!p0 $0x100000, s0  }
0x226: {  	[sflag:s0] =	ssyncadd.tile.s32 @!p0 $0x1;
	_ =	shalt  }
.Lfunc_end2:
_tile_overlayer_lowered:
.L_overlay_start_2:
0x227: {  	(tag) =	ssettag $0x2  }
0x228: {  	s0 =	rddreg [dreg:$0x0];
	s2 =	stileid.u32  }
0x229: {  	s1 =	rddreg [dreg:$0x1];
	p0 =	sne.s32 s2, $0x0  }
0x22a: {  	s3 =	rddreg [dreg:$0x2];
	[bflag:$0x3] =	sbarrier.arrive $0xFFFF;
	s2 =	simm.s32 @!p0 $0x1C09  }
0x22b: {  	[timem:s3], [sflag:s2] =	dma.local @!p0 [hbm:s0], s1  }
0x22c: {  	s0 =	simm.s32 @!p0 $0x9  }
0x22d: {  	_ =	swait.ge @!p0 [sflag:s0], s1  }
0x22e: {  	s1 =	ssub.s32 @!p0 $0x0, s1;
	[sflag:s0] =	ssyncset.done @!p0 $0x0  }
0x22f: {  	[sflag:s0] =	ssyncadd.s32 @!p0 s1  }
0x230: {  	[bflag:$0x3] =	sbarrier.arrive $0xFFFF  }
0x231: {  	_ =	shalt  }

</sc_bundles>
